<compile_context>
chip_gen: v7x
topology: tpu7x:2x2x1
jax: 0.10.2.dev20260603
libtpu: 0.0.44.dev20260713+nightly
codegen_flags: <defaults>
</compile_context>

<pallas_src>
import functools

import jax
import jax.numpy as jnp
from jax import lax
from jax.experimental import pallas as pl
from jax.experimental.pallas import tpu as pltpu
from jax.experimental.pallas import tpu_sc as plsc

N = 10000
E = 320000
D = 128
G = 16

NC = 2
NS = 16
CHUNK = 128
NCHUNK = 80
E_PAD = NC * NS * NCHUNK * CHUNK
NROW = N + 8
ZSTRIDE = 624
NBUF = 3
NSPLIT = 2
HC = CHUNK // NSPLIT


@functools.cache
def _make_sc_aggregate():
    mesh = plsc.VectorSubcoreMesh(
        core_axis_name="c", subcore_axis_name="s",
        num_cores=NC, num_subcores=NS)
    return pl.kernel(
        _sc_aggregate_body,
        out_type=jax.ShapeDtypeStruct((NC, N, D), jnp.float32),
        mesh=mesh,
        scratch_types=[
            pltpu.VMEM((NBUF, 2, CHUNK), jnp.int32),
            pltpu.VMEM((NBUF, CHUNK, D), jnp.float32),
            pltpu.VMEM_SHARED((NROW, D), jnp.float32),
            pltpu.SemaphoreType.DMA((NBUF,)),
            pltpu.SemaphoreType.DMA((NBUF, NSPLIT)),
        ],
    )


def _sc_aggregate_body(h_hbm, ei_hbm, zeros_hbm, out_hbm,
                       idx_v, rows_v, agg_sh, isem, gsem):
    c = lax.axis_index("c")
    s = lax.axis_index("s")
    wid = c * NS + s
    base = wid * NCHUNK

    pltpu.sync_copy(zeros_hbm.at[pl.ds(s * ZSTRIDE, 648)],
                    agg_sh.at[pl.ds(s * ZSTRIDE, 648)])
    plsc.subcore_barrier()

    def idx_fetch(j, b):
        pltpu.async_copy(ei_hbm.at[base + j], idx_v.at[b], isem.at[b])

    def idx_wait(j, b):
        pltpu.make_async_copy(ei_hbm.at[base + j], idx_v.at[b],
                              isem.at[b]).wait()

    def gather(b):
        for k in range(NSPLIT):
            pltpu.async_copy(
                h_hbm.at[idx_v.at[b, 0, pl.ds(k * HC, HC)]],
                rows_v.at[b, pl.ds(k * HC, HC)], gsem.at[b, k])

    def gather_wait(b):
        for k in range(NSPLIT):
            pltpu.make_async_copy(
                h_hbm.at[idx_v.at[b, 0, pl.ds(k * HC, HC)]],
                rows_v.at[b, pl.ds(k * HC, HC)], gsem.at[b, k]).wait()

    idx_fetch(0, 0)
    idx_fetch(1, 1)
    idx_fetch(2, 2)
    idx_wait(0, 0)
    gather(0)
    idx_wait(1, 1)
    gather(1)

    def body(j, carry):
        b = j % NBUF
        gather_wait(b)
        pltpu.sync_copy(rows_v.at[b], agg_sh.at[idx_v.at[b, 1]], add=True)

        @pl.when(j + 2 < NCHUNK)
        def _():
            b2 = (j + 2) % NBUF
            idx_wait(j + 2, b2)
            gather(b2)

        @pl.when(j + 3 < NCHUNK)
        def _():
            idx_fetch(j + 3, b)
        return carry

    lax.fori_loop(0, NCHUNK, body, 0)
    plsc.subcore_barrier()
    pltpu.sync_copy(agg_sh.at[pl.ds(s * ZSTRIDE, 640)],
                    out_hbm.at[c, pl.ds(s * ZSTRIDE, 640)])


_BLK = 1000
_NB = N // _BLK


def _matT(a, w):
    return lax.dot_general(a.astype(jnp.bfloat16), w.astype(jnp.bfloat16),
                           (((1,), (1,)), ((), ())),
                           preferred_element_type=jnp.float32)


def _conv_body(p_ref, h_ref, wrel_ref, wroot_ref, b_ref, o_ref):
    agg = p_ref[0] + p_ref[1]
    out = _matT(agg, wrel_ref[...]) + _matT(h_ref[...], wroot_ref[...]) + b_ref[...]
    o_ref[...] = jnp.maximum(out, 0.0)


def _tc_conv(p, h, wrel, wroot, b):
    return pl.pallas_call(
        _conv_body,
        grid=(_NB,),
        in_specs=[
            pl.BlockSpec((NC, _BLK, D), lambda i: (0, i, 0)),
            pl.BlockSpec((_BLK, D), lambda i: (i, 0)),
            pl.BlockSpec((D, D), lambda i: (0, 0)),
            pl.BlockSpec((D, D), lambda i: (0, 0)),
            pl.BlockSpec((1, D), lambda i: (0, 0)),
        ],
        out_specs=pl.BlockSpec((_BLK, D), lambda i: (i, 0)),
        out_shape=jax.ShapeDtypeStruct((N, D), jnp.float32),
    )(p, h, wrel, wroot, b)


def _final_body(p_ref, h_ref, batch_ref, wrel_ref, wroot_ref, b_ref,
                wfc1_ref, bfc1_ref, wfc2_ref, bfc2_ref, o_ref,
                pooled_acc, cnt_acc):
    i = pl.program_id(0)

    @pl.when(i == 0)
    def _():
        pooled_acc[...] = jnp.zeros_like(pooled_acc)
        cnt_acc[...] = jnp.zeros_like(cnt_acc)

    agg = p_ref[0] + p_ref[1]
    h2 = jnp.maximum(
        _matT(agg, wrel_ref[...]) + _matT(h_ref[...], wroot_ref[...]) + b_ref[...],
        0.0)
    b = batch_ref[0, 0, :]
    onehot = (b[None, :] == lax.broadcasted_iota(jnp.int32, (G, _BLK), 0)
              ).astype(jnp.float32)
    pooled_acc[...] += jnp.dot(onehot, h2, preferred_element_type=jnp.float32,
                               precision=lax.Precision.HIGHEST)
    cnt_acc[...] += jnp.broadcast_to(
        jnp.sum(onehot, axis=1, keepdims=True), (G, D))

    @pl.when(i == _NB - 1)
    def _():
        pooled = pooled_acc[...] / jnp.maximum(cnt_acc[...], 1.0)
        g = jnp.maximum(_matT(pooled, wfc1_ref[...]) + bfc1_ref[...], 0.0)
        g16 = g.astype(jnp.bfloat16).astype(jnp.float32)
        w16 = wfc2_ref[...].astype(jnp.bfloat16).astype(jnp.float32)
        val = jnp.sum(g16 * w16, axis=1, keepdims=True)
        o_ref[...] = jnp.broadcast_to(val, (G, D)) + bfc2_ref[...]


def _tc_final(p, h, batch3, wrel, wroot, b, wfc1, bfc1, wfc2, bfc2):
    return pl.pallas_call(
        _final_body,
        grid=(_NB,),
        in_specs=[
            pl.BlockSpec((NC, _BLK, D), lambda i: (0, i, 0)),
            pl.BlockSpec((_BLK, D), lambda i: (i, 0)),
            pl.BlockSpec((1, 1, _BLK), lambda i: (i, 0, 0)),
            pl.BlockSpec((D, D), lambda i: (0, 0)),
            pl.BlockSpec((D, D), lambda i: (0, 0)),
            pl.BlockSpec((1, D), lambda i: (0, 0)),
            pl.BlockSpec((D, D), lambda i: (0, 0)),
            pl.BlockSpec((1, D), lambda i: (0, 0)),
            pl.BlockSpec((1, D), lambda i: (0, 0)),
            pl.BlockSpec((1, D), lambda i: (0, 0)),
        ],
        out_specs=pl.BlockSpec((G, D), lambda i: (0, 0)),
        out_shape=jax.ShapeDtypeStruct((G, D), jnp.float32),
        scratch_shapes=[
            pltpu.VMEM((G, D), jnp.float32),
            pltpu.VMEM((G, D), jnp.float32),
        ],
    )(p, h, batch3, wrel, wroot, b, wfc1, bfc1, wfc2, bfc2)


def kernel(x, edge_index, batch, W_rel1, W_root1, b1, W_rel2, W_root2, b2,
           W_fc1, b_fc1, W_fc2, b_fc2):
    npad = E_PAD - E
    src = jnp.concatenate(
        [edge_index[0], jnp.zeros((npad,), jnp.int32)]).reshape(-1, CHUNK)
    dst = jnp.concatenate(
        [edge_index[1], jnp.full((npad,), N, jnp.int32)]).reshape(-1, CHUNK)
    ei2 = jnp.stack([src, dst], axis=1)
    zeros = jnp.zeros((NROW, D), jnp.float32)
    batch3 = batch.reshape(_NB, 1, _BLK)

    sc_agg = _make_sc_aggregate()
    p1 = sc_agg(x, ei2, zeros)
    h1 = _tc_conv(p1, x, W_rel1, W_root1, b1.reshape(1, D))
    p2 = sc_agg(h1, ei2, zeros)
    out_full = _tc_final(
        p2, h1, batch3, W_rel2, W_root2, b2.reshape(1, D),
        W_fc1, b_fc1.reshape(1, D), W_fc2,
        jnp.broadcast_to(b_fc2.reshape(1, 1), (1, D)))
    return out_full[:, :1]

# --- scband reference (transcript-rebuilt; emitter-appended) ---
"""Pipeline reference for scband-gnn-15539191677055 (READ-ONLY COPY).

The authoritative reference and input builder live on the scoring server;
editing this copy changes nothing except your own understanding.
"""

import jax, jax.numpy as jnp
import numpy as np

N = 10000
E = 320000
D = 128
G = 16


def setup_inputs(seed: int = 0) -> dict:
    key = jax.random.key(seed)
    ks = jax.random.split(key, 13)
    s = 1.0 / np.sqrt(D)
    inp = {}
    inp["x"] = jax.random.normal(ks[0], (N, D), dtype=jnp.float32)
    inp["edge_index"] = jax.random.randint(ks[1], (2, E), 0, N, dtype=jnp.int32)
    inp["batch"] = jnp.sort(jax.random.randint(ks[2], (N,), 0, G, dtype=jnp.int32))
    # GraphConv 1: lin_rel (with bias) applied to aggregated neighbors, lin_root (no bias) to self
    inp["W_rel1"] = jax.random.uniform(ks[3], (D, D), minval=-s, maxval=s, dtype=jnp.float32)
    inp["W_root1"] = jax.random.uniform(ks[4], (D, D), minval=-s, maxval=s, dtype=jnp.float32)
    inp["b1"] = jax.random.uniform(ks[5], (D,), minval=-s, maxval=s, dtype=jnp.float32)
    # GraphConv 2
    inp["W_rel2"] = jax.random.uniform(ks[6], (D, D), minval=-s, maxval=s, dtype=jnp.float32)
    inp["W_root2"] = jax.random.uniform(ks[7], (D, D), minval=-s, maxval=s, dtype=jnp.float32)
    inp["b2"] = jax.random.uniform(ks[8], (D,), minval=-s, maxval=s, dtype=jnp.float32)
    # fc1, fc2
    inp["W_fc1"] = jax.random.uniform(ks[9], (D, D), minval=-s, maxval=s, dtype=jnp.float32)
    inp["b_fc1"] = jax.random.uniform(ks[10], (D,), minval=-s, maxval=s, dtype=jnp.float32)
    inp["W_fc2"] = jax.random.uniform(ks[11], (1, D), minval=-s, maxval=s, dtype=jnp.float32)
    inp["b_fc2"] = jax.random.uniform(ks[12], (1,), minval=-s, maxval=s, dtype=jnp.float32)
    return inp


def reference(x, edge_index, batch, W_rel1, W_root1, b1, W_rel2, W_root2, b2, W_fc1, b_fc1, W_fc2, b_fc2):
    src = edge_index[0]
    dst = edge_index[1]

    def graph_conv(h, W_rel, W_root, b):
        # PyG GraphConv, aggr='add': out_i = W_rel @ sum_{j in N(i)} h_j + b + W_root @ h_i
        msg = jnp.take(h, src, axis=0)
        agg = jax.ops.segment_sum(msg, dst, num_segments=N)
        return agg @ W_rel.T + b + h @ W_root.T

    h = jax.nn.relu(graph_conv(x, W_rel1, W_root1, b1))
    h = jax.nn.relu(graph_conv(h, W_rel2, W_root2, b2))
    # global_mean_pool over graph ids in `batch`
    sums = jax.ops.segment_sum(h, batch, num_segments=G)
    counts = jax.ops.segment_sum(jnp.ones((N, 1), jnp.float32), batch, num_segments=G)
    pooled = sums / jnp.maximum(counts, 1.0)
    h = jax.nn.relu(pooled @ W_fc1.T + b_fc1)
    out = h @ W_fc2.T + b_fc2
    return out

if __name__ == "__main__":
    import jax
    _d = setup_inputs()
    print(jax.jit(kernel)(*tuple(_d.values())))

</pallas_src>

<mosaic_0001>
#map = affine_map<(d0, d1) -> (0, 0)>
#map1 = affine_map<(d0, d1) -> (0, 0, 0)>
module attributes {stable_mosaic.version = 14 : i64} {
  func.func @_sc_aggregate_body(%arg0: i32, %arg1: i32, %arg2: memref<10000x128xf32, #tpu.memory_space<hbm>>, %arg3: memref<2560x2x128xi32, #tpu.memory_space<hbm>>, %arg4: memref<10008x128xf32, #tpu.memory_space<hbm>>, %arg5: memref<2x10000x128xf32, #tpu.memory_space<hbm>>, %arg6: memref<3x2x128xi32, #tpu.memory_space<vmem>>, %arg7: memref<3x128x128xf32, #tpu.memory_space<vmem>>, %arg8: memref<10008x128xf32, #tpu.memory_space<vmem_shared>>, %arg9: memref<3x!tpu.dma_semaphore, #tpu.memory_space<semaphore_mem>>, %arg10: memref<3x2x!tpu.dma_semaphore, #tpu.memory_space<semaphore_mem>>) attributes {dimension_semantics = [#tpu.dimension_semantics<core_parallel>, #tpu.dimension_semantics<subcore_parallel>], iteration_bounds = array<i64: 2, 16>, scalar_prefetch = 0 : i64, scratch_operands = 5 : i64, tpu.core_type = #tpu.core_type<sc_vector_subcore>, window_params = [{transform_indices = #map}, {transform_indices = #map1}, {transform_indices = #map}, {transform_indices = #map1}]} {
    %mul3A = arith.constant 16 : i32
    %mul3A_0 = arith.muli %arg0, %mul3A : i32
    %add3A = arith.addi %mul3A_0, %arg1 : i32
    %mul3A_1 = arith.constant 80 : i32
    %mul3A_2 = arith.muli %add3A, %mul3A_1 : i32
    %mul3A_3 = arith.constant 624 : i32
    %mul3A_4 = arith.muli %arg1, %mul3A_3 : i32
    %mul3A_5 = arith.constant 624 : i32
    %mul3A_6 = arith.muli %arg1, %mul3A_5 : i32
    "tpu.region"() ({
      %run_scoped3A = tpu.sem_alloc : memref<!tpu.dma_semaphore, #tpu.memory_space<semaphore_mem>>
      %dma_start3A_193 = arith.constant 0 : i32
      %dma_start3A_194 = tpu.memref_slice %arg8[%mul3A_6, %dma_start3A_193] : memref<10008x128xf32, #tpu.memory_space<vmem_shared>> -> memref<648x128xf32, #tpu.memory_space<vmem_shared>>
      %dma_start3A_195 = arith.constant 0 : i32
      %dma_start3A_196 = tpu.memref_slice %arg4[%mul3A_4, %dma_start3A_195] : memref<10008x128xf32, #tpu.memory_space<hbm>> -> memref<648x128xf32, #tpu.memory_space<hbm>>
      tpu.enqueue_dma source(%dma_start3A_196 : memref<648x128xf32, #tpu.memory_space<hbm>>) target(%dma_start3A_194 : memref<648x128xf32, #tpu.memory_space<vmem_shared>>) target_semaphore(%run_scoped3A : memref<!tpu.dma_semaphore, #tpu.memory_space<semaphore_mem>>)
      %dma_wait3A_197 = arith.constant 0 : i32
      %dma_wait3A_198 = tpu.memref_slice %arg8[%mul3A_6, %dma_wait3A_197] : memref<10008x128xf32, #tpu.memory_space<vmem_shared>> -> memref<648x128xf32, #tpu.memory_space<vmem_shared>>
      %dma_wait3A_199 = arith.constant 0 : i32
      %dma_wait3A_200 = tpu.memref_slice %arg4[%mul3A_4, %dma_wait3A_199] : memref<10008x128xf32, #tpu.memory_space<hbm>> -> memref<648x128xf32, #tpu.memory_space<hbm>>
      tpu.wait_dma2 semaphore(%run_scoped3A : memref<!tpu.dma_semaphore, #tpu.memory_space<semaphore_mem>>) src(%dma_wait3A_200 : memref<648x128xf32, #tpu.memory_space<hbm>>) dst(%dma_wait3A_198 : memref<648x128xf32, #tpu.memory_space<vmem_shared>>)
      tpu.yield
    }) : () -> ()
    %barrier3A = arith.constant 0 : index
    tpu.barrier barrier_id(%barrier3A)
    %add3A_7 = arith.constant 0 : i32
    %add3A_8 = arith.addi %mul3A_2, %add3A_7 : i32
    %dma_start3A = arith.constant 0 : i32
    %dma_start3A_9 = arith.constant 0 : i32
    %dma_start3A_10 = arith.constant 0 : i32
    %dma_start3A_11 = arith.constant 0 : i32
    %dma_start3A_12 = tpu.memref_slice %arg6[%dma_start3A, %dma_start3A_10, %dma_start3A_11] : memref<3x2x128xi32, #tpu.memory_space<vmem>> -> memref<1x2x128xi32, #tpu.memory_space<vmem>>
    %dma_start3A_13 = tpu.memref_squeeze %dma_start3A_12 : memref<1x2x128xi32, #tpu.memory_space<vmem>> -> memref<2x128xi32, #tpu.memory_space<vmem>>
    %dma_start3A_14 = arith.constant 0 : i32
    %dma_start3A_15 = arith.constant 0 : i32
    %dma_start3A_16 = tpu.memref_slice %arg3[%add3A_8, %dma_start3A_14, %dma_start3A_15] : memref<2560x2x128xi32, #tpu.memory_space<hbm>> -> memref<1x2x128xi32, #tpu.memory_space<hbm>>
    %dma_start3A_17 = tpu.memref_squeeze %dma_start3A_16 : memref<1x2x128xi32, #tpu.memory_space<hbm>> -> memref<2x128xi32, #tpu.memory_space<hbm>>
    %dma_start3A_18 = tpu.memref_slice %arg9[%dma_start3A_9] : memref<3x!tpu.dma_semaphore, #tpu.memory_space<semaphore_mem>> -> memref<1x!tpu.dma_semaphore, #tpu.memory_space<semaphore_mem>>
    %dma_start3A_19 = tpu.memref_squeeze %dma_start3A_18 : memref<1x!tpu.dma_semaphore, #tpu.memory_space<semaphore_mem>> -> memref<!tpu.dma_semaphore, #tpu.memory_space<semaphore_mem>>
    %dma_start3A_20 = arith.constant 0 : i32
    %dma_start3A_21 = arith.constant 0 : i32
    %dma_start3A_22 = tpu.memref_slice %arg6[%dma_start3A, %dma_start3A_20, %dma_start3A_21] : memref<3x2x128xi32, #tpu.memory_space<vmem>> -> memref<1x2x128xi32, #tpu.memory_space<vmem>>
    %dma_start3A_23 = tpu.memref_squeeze %dma_start3A_22 : memref<1x2x128xi32, #tpu.memory_space<vmem>> -> memref<2x128xi32, #tpu.memory_space<vmem>>
    %dma_start3A_24 = arith.constant 0 : i32
    %dma_start3A_25 = arith.constant 0 : i32
    %dma_start3A_26 = tpu.memref_slice %arg3[%add3A_8, %dma_start3A_24, %dma_start3A_25] : memref<2560x2x128xi32, #tpu.memory_space<hbm>> -> memref<1x2x128xi32, #tpu.memory_space<hbm>>
    %dma_start3A_27 = tpu.memref_squeeze %dma_start3A_26 : memref<1x2x128xi32, #tpu.memory_space<hbm>> -> memref<2x128xi32, #tpu.memory_space<hbm>>
    tpu.enqueue_dma source(%dma_start3A_27 : memref<2x128xi32, #tpu.memory_space<hbm>>) target(%dma_start3A_23 : memref<2x128xi32, #tpu.memory_space<vmem>>) target_semaphore(%dma_start3A_19 : memref<!tpu.dma_semaphore, #tpu.memory_space<semaphore_mem>>)
    %add3A_28 = arith.constant 1 : i32
    %add3A_29 = arith.addi %mul3A_2, %add3A_28 : i32
    %dma_start3A_30 = arith.constant 1 : i32
    %dma_start3A_31 = arith.constant 1 : i32
    %dma_start3A_32 = arith.constant 0 : i32
    %dma_start3A_33 = arith.constant 0 : i32
    %dma_start3A_34 = tpu.memref_slice %arg6[%dma_start3A_30, %dma_start3A_32, %dma_start3A_33] : memref<3x2x128xi32, #tpu.memory_space<vmem>> -> memref<1x2x128xi32, #tpu.memory_space<vmem>>
    %dma_start3A_35 = tpu.memref_squeeze %dma_start3A_34 : memref<1x2x128xi32, #tpu.memory_space<vmem>> -> memref<2x128xi32, #tpu.memory_space<vmem>>
    %dma_start3A_36 = arith.constant 0 : i32
    %dma_start3A_37 = arith.constant 0 : i32
    %dma_start3A_38 = tpu.memref_slice %arg3[%add3A_29, %dma_start3A_36, %dma_start3A_37] : memref<2560x2x128xi32, #tpu.memory_space<hbm>> -> memref<1x2x128xi32, #tpu.memory_space<hbm>>
    %dma_start3A_39 = tpu.memref_squeeze %dma_start3A_38 : memref<1x2x128xi32, #tpu.memory_space<hbm>> -> memref<2x128xi32, #tpu.memory_space<hbm>>
    %dma_start3A_40 = tpu.memref_slice %arg9[%dma_start3A_31] : memref<3x!tpu.dma_semaphore, #tpu.memory_space<semaphore_mem>> -> memref<1x!tpu.dma_semaphore, #tpu.memory_space<semaphore_mem>>
    %dma_start3A_41 = tpu.memref_squeeze %dma_start3A_40 : memref<1x!tpu.dma_semaphore, #tpu.memory_space<semaphore_mem>> -> memref<!tpu.dma_semaphore, #tpu.memory_space<semaphore_mem>>
    %dma_start3A_42 = arith.constant 0 : i32
    %dma_start3A_43 = arith.constant 0 : i32
    %dma_start3A_44 = tpu.memref_slice %arg6[%dma_start3A_30, %dma_start3A_42, %dma_start3A_43] : memref<3x2x128xi32, #tpu.memory_space<vmem>> -> memref<1x2x128xi32, #tpu.memory_space<vmem>>
    %dma_start3A_45 = tpu.memref_squeeze %dma_start3A_44 : memref<1x2x128xi32, #tpu.memory_space<vmem>> -> memref<2x128xi32, #tpu.memory_space<vmem>>
    %dma_start3A_46 = arith.constant 0 : i32
    %dma_start3A_47 = arith.constant 0 : i32
    %dma_start3A_48 = tpu.memref_slice %arg3[%add3A_29, %dma_start3A_46, %dma_start3A_47] : memref<2560x2x128xi32, #tpu.memory_space<hbm>> -> memref<1x2x128xi32, #tpu.memory_space<hbm>>
    %dma_start3A_49 = tpu.memref_squeeze %dma_start3A_48 : memref<1x2x128xi32, #tpu.memory_space<hbm>> -> memref<2x128xi32, #tpu.memory_space<hbm>>
    tpu.enqueue_dma source(%dma_start3A_49 : memref<2x128xi32, #tpu.memory_space<hbm>>) target(%dma_start3A_45 : memref<2x128xi32, #tpu.memory_space<vmem>>) target_semaphore(%dma_start3A_41 : memref<!tpu.dma_semaphore, #tpu.memory_space<semaphore_mem>>)
    %add3A_50 = arith.constant 2 : i32
    %add3A_51 = arith.addi %mul3A_2, %add3A_50 : i32
    %dma_start3A_52 = arith.constant 2 : i32
    %dma_start3A_53 = arith.constant 2 : i32
    %dma_start3A_54 = arith.constant 0 : i32
    %dma_start3A_55 = arith.constant 0 : i32
    %dma_start3A_56 = tpu.memref_slice %arg6[%dma_start3A_52, %dma_start3A_54, %dma_start3A_55] : memref<3x2x128xi32, #tpu.memory_space<vmem>> -> memref<1x2x128xi32, #tpu.memory_space<vmem>>
    %dma_start3A_57 = tpu.memref_squeeze %dma_start3A_56 : memref<1x2x128xi32, #tpu.memory_space<vmem>> -> memref<2x128xi32, #tpu.memory_space<vmem>>
    %dma_start3A_58 = arith.constant 0 : i32
    %dma_start3A_59 = arith.constant 0 : i32
    %dma_start3A_60 = tpu.memref_slice %arg3[%add3A_51, %dma_start3A_58, %dma_start3A_59] : memref<2560x2x128xi32, #tpu.memory_space<hbm>> -> memref<1x2x128xi32, #tpu.memory_space<hbm>>
    %dma_start3A_61 = tpu.memref_squeeze %dma_start3A_60 : memref<1x2x128xi32, #tpu.memory_space<hbm>> -> memref<2x128xi32, #tpu.memory_space<hbm>>
    %dma_start3A_62 = tpu.memref_slice %arg9[%dma_start3A_53] : memref<3x!tpu.dma_semaphore, #tpu.memory_space<semaphore_mem>> -> memref<1x!tpu.dma_semaphore, #tpu.memory_space<semaphore_mem>>
    %dma_start3A_63 = tpu.memref_squeeze %dma_start3A_62 : memref<1x!tpu.dma_semaphore, #tpu.memory_space<semaphore_mem>> -> memref<!tpu.dma_semaphore, #tpu.memory_space<semaphore_mem>>
    %dma_start3A_64 = arith.constant 0 : i32
    %dma_start3A_65 = arith.constant 0 : i32
    %dma_start3A_66 = tpu.memref_slice %arg6[%dma_start3A_52, %dma_start3A_64, %dma_start3A_65] : memref<3x2x128xi32, #tpu.memory_space<vmem>> -> memref<1x2x128xi32, #tpu.memory_space<vmem>>
    %dma_start3A_67 = tpu.memref_squeeze %dma_start3A_66 : memref<1x2x128xi32, #tpu.memory_space<vmem>> -> memref<2x128xi32, #tpu.memory_space<vmem>>
    %dma_start3A_68 = arith.constant 0 : i32
    %dma_start3A_69 = arith.constant 0 : i32
    %dma_start3A_70 = tpu.memref_slice %arg3[%add3A_51, %dma_start3A_68, %dma_start3A_69] : memref<2560x2x128xi32, #tpu.memory_space<hbm>> -> memref<1x2x128xi32, #tpu.memory_space<hbm>>
    %dma_start3A_71 = tpu.memref_squeeze %dma_start3A_70 : memref<1x2x128xi32, #tpu.memory_space<hbm>> -> memref<2x128xi32, #tpu.memory_space<hbm>>
    tpu.enqueue_dma source(%dma_start3A_71 : memref<2x128xi32, #tpu.memory_space<hbm>>) target(%dma_start3A_67 : memref<2x128xi32, #tpu.memory_space<vmem>>) target_semaphore(%dma_start3A_63 : memref<!tpu.dma_semaphore, #tpu.memory_space<semaphore_mem>>)
    %add3A_72 = arith.constant 0 : i32
    %add3A_73 = arith.addi %mul3A_2, %add3A_72 : i32
    %dma_wait3A = arith.constant 0 : i32
    %dma_wait3A_74 = arith.constant 0 : i32
    %dma_wait3A_75 = arith.constant 0 : i32
    %dma_wait3A_76 = arith.constant 0 : i32
    %dma_wait3A_77 = tpu.memref_slice %arg6[%dma_wait3A, %dma_wait3A_75, %dma_wait3A_76] : memref<3x2x128xi32, #tpu.memory_space<vmem>> -> memref<1x2x128xi32, #tpu.memory_space<vmem>>
    %dma_wait3A_78 = tpu.memref_squeeze %dma_wait3A_77 : memref<1x2x128xi32, #tpu.memory_space<vmem>> -> memref<2x128xi32, #tpu.memory_space<vmem>>
    %dma_wait3A_79 = arith.constant 0 : i32
    %dma_wait3A_80 = arith.constant 0 : i32
    %dma_wait3A_81 = tpu.memref_slice %arg3[%add3A_73, %dma_wait3A_79, %dma_wait3A_80] : memref<2560x2x128xi32, #tpu.memory_space<hbm>> -> memref<1x2x128xi32, #tpu.memory_space<hbm>>
    %dma_wait3A_82 = tpu.memref_squeeze %dma_wait3A_81 : memref<1x2x128xi32, #tpu.memory_space<hbm>> -> memref<2x128xi32, #tpu.memory_space<hbm>>
    %dma_wait3A_83 = tpu.memref_slice %arg9[%dma_wait3A_74] : memref<3x!tpu.dma_semaphore, #tpu.memory_space<semaphore_mem>> -> memref<1x!tpu.dma_semaphore, #tpu.memory_space<semaphore_mem>>
    %dma_wait3A_84 = tpu.memref_squeeze %dma_wait3A_83 : memref<1x!tpu.dma_semaphore, #tpu.memory_space<semaphore_mem>> -> memref<!tpu.dma_semaphore, #tpu.memory_space<semaphore_mem>>
    %dma_wait3A_85 = arith.constant 0 : i32
    %dma_wait3A_86 = arith.constant 0 : i32
    %dma_wait3A_87 = tpu.memref_slice %arg6[%dma_wait3A, %dma_wait3A_85, %dma_wait3A_86] : memref<3x2x128xi32, #tpu.memory_space<vmem>> -> memref<1x2x128xi32, #tpu.memory_space<vmem>>
    %dma_wait3A_88 = tpu.memref_squeeze %dma_wait3A_87 : memref<1x2x128xi32, #tpu.memory_space<vmem>> -> memref<2x128xi32, #tpu.memory_space<vmem>>
    %dma_wait3A_89 = arith.constant 0 : i32
    %dma_wait3A_90 = arith.constant 0 : i32
    %dma_wait3A_91 = tpu.memref_slice %arg3[%add3A_73, %dma_wait3A_89, %dma_wait3A_90] : memref<2560x2x128xi32, #tpu.memory_space<hbm>> -> memref<1x2x128xi32, #tpu.memory_space<hbm>>
    %dma_wait3A_92 = tpu.memref_squeeze %dma_wait3A_91 : memref<1x2x128xi32, #tpu.memory_space<hbm>> -> memref<2x128xi32, #tpu.memory_space<hbm>>
    tpu.wait_dma2 semaphore(%dma_wait3A_84 : memref<!tpu.dma_semaphore, #tpu.memory_space<semaphore_mem>>) src(%dma_wait3A_92 : memref<2x128xi32, #tpu.memory_space<hbm>>) dst(%dma_wait3A_88 : memref<2x128xi32, #tpu.memory_space<vmem>>)
    %dma_start3A_93 = arith.constant 0 : i32
    %dma_start3A_94 = arith.constant 0 : i32
    %dma_start3A_95 = arith.constant 0 : i32
    %dma_start3A_96 = arith.constant 0 : i32
    %dma_start3A_97 = arith.constant 0 : i32
    %dma_start3A_98 = arith.constant 0 : i32
    %dma_start3A_99 = arith.constant 0 : i32
    %dma_start3A_100 = tpu.memref_slice %arg7[%dma_start3A_95, %dma_start3A_98, %dma_start3A_99] : memref<3x128x128xf32, #tpu.memory_space<vmem>> -> memref<1x64x128xf32, #tpu.memory_space<vmem>>
    %dma_start3A_101 = tpu.memref_squeeze %dma_start3A_100 : memref<1x64x128xf32, #tpu.memory_space<vmem>> -> memref<64x128xf32, #tpu.memory_space<vmem>>
    %dma_start3A_102 = arith.constant 0 : i32
    %dma_start3A_103 = tpu.memref_slice %arg6[%dma_start3A_93, %dma_start3A_94, %dma_start3A_102] : memref<3x2x128xi32, #tpu.memory_space<vmem>> -> memref<1x1x64xi32, #tpu.memory_space<vmem>>
    %dma_start3A_104 = tpu.memref_squeeze %dma_start3A_103 : memref<1x1x64xi32, #tpu.memory_space<vmem>> -> memref<64xi32, #tpu.memory_space<vmem>>
    %dma_start3A_105 = arith.constant 0 : i32
    %dma_start3A_106 = arith.constant 0 : i32
    %dma_start3A_107 = tpu.memref_slice %arg2[%dma_start3A_105, %dma_start3A_106] : memref<10000x128xf32, #tpu.memory_space<hbm>> -> memref<10000x128xf32, #tpu.memory_space<hbm>>
    %dma_start3A_108 = tpu.memref_slice %arg10[%dma_start3A_96, %dma_start3A_97] : memref<3x2x!tpu.dma_semaphore, #tpu.memory_space<semaphore_mem>> -> memref<1x1x!tpu.dma_semaphore, #tpu.memory_space<semaphore_mem>>
    %dma_start3A_109 = tpu.memref_squeeze %dma_start3A_108 : memref<1x1x!tpu.dma_semaphore, #tpu.memory_space<semaphore_mem>> -> memref<!tpu.dma_semaphore, #tpu.memory_space<semaphore_mem>>
    tpu.enqueue_indirect_dma source(%dma_start3A_107 : memref<10000x128xf32, #tpu.memory_space<hbm>>) target(%dma_start3A_101 : memref<64x128xf32, #tpu.memory_space<vmem>>) offsets(%dma_start3A_104 : memref<64xi32, #tpu.memory_space<vmem>>) semaphore(%dma_start3A_109 : memref<!tpu.dma_semaphore, #tpu.memory_space<semaphore_mem>>)
    %dma_start3A_110 = arith.constant 0 : i32
    %dma_start3A_111 = arith.constant 0 : i32
    %dma_start3A_112 = arith.constant 0 : i32
    %dma_start3A_113 = arith.constant 0 : i32
    %dma_start3A_114 = arith.constant 1 : i32
    %dma_start3A_115 = arith.constant 64 : i32
    %dma_start3A_116 = arith.constant 0 : i32
    %dma_start3A_117 = tpu.memref_slice %arg7[%dma_start3A_112, %dma_start3A_115, %dma_start3A_116] : memref<3x128x128xf32, #tpu.memory_space<vmem>> -> memref<1x64x128xf32, #tpu.memory_space<vmem>>
    %dma_start3A_118 = tpu.memref_squeeze %dma_start3A_117 : memref<1x64x128xf32, #tpu.memory_space<vmem>> -> memref<64x128xf32, #tpu.memory_space<vmem>>
    %dma_start3A_119 = arith.constant 64 : i32
    %dma_start3A_120 = tpu.memref_slice %arg6[%dma_start3A_110, %dma_start3A_111, %dma_start3A_119] : memref<3x2x128xi32, #tpu.memory_space<vmem>> -> memref<1x1x64xi32, #tpu.memory_space<vmem>>
    %dma_start3A_121 = tpu.memref_squeeze %dma_start3A_120 : memref<1x1x64xi32, #tpu.memory_space<vmem>> -> memref<64xi32, #tpu.memory_space<vmem>>
    %dma_start3A_122 = arith.constant 0 : i32
    %dma_start3A_123 = arith.constant 0 : i32
    %dma_start3A_124 = tpu.memref_slice %arg2[%dma_start3A_122, %dma_start3A_123] : memref<10000x128xf32, #tpu.memory_space<hbm>> -> memref<10000x128xf32, #tpu.memory_space<hbm>>
    %dma_start3A_125 = tpu.memref_slice %arg10[%dma_start3A_113, %dma_start3A_114] : memref<3x2x!tpu.dma_semaphore, #tpu.memory_space<semaphore_mem>> -> memref<1x1x!tpu.dma_semaphore, #tpu.memory_space<semaphore_mem>>
    %dma_start3A_126 = tpu.memref_squeeze %dma_start3A_125 : memref<1x1x!tpu.dma_semaphore, #tpu.memory_space<semaphore_mem>> -> memref<!tpu.dma_semaphore, #tpu.memory_space<semaphore_mem>>
    tpu.enqueue_indirect_dma source(%dma_start3A_124 : memref<10000x128xf32, #tpu.memory_space<hbm>>) target(%dma_start3A_118 : memref<64x128xf32, #tpu.memory_space<vmem>>) offsets(%dma_start3A_121 : memref<64xi32, #tpu.memory_space<vmem>>) semaphore(%dma_start3A_126 : memref<!tpu.dma_semaphore, #tpu.memory_space<semaphore_mem>>)
    %add3A_127 = arith.constant 1 : i32
    %add3A_128 = arith.addi %mul3A_2, %add3A_127 : i32
    %dma_wait3A_129 = arith.constant 1 : i32
    %dma_wait3A_130 = arith.constant 1 : i32
    %dma_wait3A_131 = arith.constant 0 : i32
    %dma_wait3A_132 = arith.constant 0 : i32
    %dma_wait3A_133 = tpu.memref_slice %arg6[%dma_wait3A_129, %dma_wait3A_131, %dma_wait3A_132] : memref<3x2x128xi32, #tpu.memory_space<vmem>> -> memref<1x2x128xi32, #tpu.memory_space<vmem>>
    %dma_wait3A_134 = tpu.memref_squeeze %dma_wait3A_133 : memref<1x2x128xi32, #tpu.memory_space<vmem>> -> memref<2x128xi32, #tpu.memory_space<vmem>>
    %dma_wait3A_135 = arith.constant 0 : i32
    %dma_wait3A_136 = arith.constant 0 : i32
    %dma_wait3A_137 = tpu.memref_slice %arg3[%add3A_128, %dma_wait3A_135, %dma_wait3A_136] : memref<2560x2x128xi32, #tpu.memory_space<hbm>> -> memref<1x2x128xi32, #tpu.memory_space<hbm>>
    %dma_wait3A_138 = tpu.memref_squeeze %dma_wait3A_137 : memref<1x2x128xi32, #tpu.memory_space<hbm>> -> memref<2x128xi32, #tpu.memory_space<hbm>>
    %dma_wait3A_139 = tpu.memref_slice %arg9[%dma_wait3A_130] : memref<3x!tpu.dma_semaphore, #tpu.memory_space<semaphore_mem>> -> memref<1x!tpu.dma_semaphore, #tpu.memory_space<semaphore_mem>>
    %dma_wait3A_140 = tpu.memref_squeeze %dma_wait3A_139 : memref<1x!tpu.dma_semaphore, #tpu.memory_space<semaphore_mem>> -> memref<!tpu.dma_semaphore, #tpu.memory_space<semaphore_mem>>
    %dma_wait3A_141 = arith.constant 0 : i32
    %dma_wait3A_142 = arith.constant 0 : i32
    %dma_wait3A_143 = tpu.memref_slice %arg6[%dma_wait3A_129, %dma_wait3A_141, %dma_wait3A_142] : memref<3x2x128xi32, #tpu.memory_space<vmem>> -> memref<1x2x128xi32, #tpu.memory_space<vmem>>
    %dma_wait3A_144 = tpu.memref_squeeze %dma_wait3A_143 : memref<1x2x128xi32, #tpu.memory_space<vmem>> -> memref<2x128xi32, #tpu.memory_space<vmem>>
    %dma_wait3A_145 = arith.constant 0 : i32
    %dma_wait3A_146 = arith.constant 0 : i32
    %dma_wait3A_147 = tpu.memref_slice %arg3[%add3A_128, %dma_wait3A_145, %dma_wait3A_146] : memref<2560x2x128xi32, #tpu.memory_space<hbm>> -> memref<1x2x128xi32, #tpu.memory_space<hbm>>
    %dma_wait3A_148 = tpu.memref_squeeze %dma_wait3A_147 : memref<1x2x128xi32, #tpu.memory_space<hbm>> -> memref<2x128xi32, #tpu.memory_space<hbm>>
    tpu.wait_dma2 semaphore(%dma_wait3A_140 : memref<!tpu.dma_semaphore, #tpu.memory_space<semaphore_mem>>) src(%dma_wait3A_148 : memref<2x128xi32, #tpu.memory_space<hbm>>) dst(%dma_wait3A_144 : memref<2x128xi32, #tpu.memory_space<vmem>>)
    %dma_start3A_149 = arith.constant 1 : i32
    %dma_start3A_150 = arith.constant 0 : i32
    %dma_start3A_151 = arith.constant 1 : i32
    %dma_start3A_152 = arith.constant 1 : i32
    %dma_start3A_153 = arith.constant 0 : i32
    %dma_start3A_154 = arith.constant 0 : i32
    %dma_start3A_155 = arith.constant 0 : i32
    %dma_start3A_156 = tpu.memref_slice %arg7[%dma_start3A_151, %dma_start3A_154, %dma_start3A_155] : memref<3x128x128xf32, #tpu.memory_space<vmem>> -> memref<1x64x128xf32, #tpu.memory_space<vmem>>
    %dma_start3A_157 = tpu.memref_squeeze %dma_start3A_156 : memref<1x64x128xf32, #tpu.memory_space<vmem>> -> memref<64x128xf32, #tpu.memory_space<vmem>>
    %dma_start3A_158 = arith.constant 0 : i32
    %dma_start3A_159 = tpu.memref_slice %arg6[%dma_start3A_149, %dma_start3A_150, %dma_start3A_158] : memref<3x2x128xi32, #tpu.memory_space<vmem>> -> memref<1x1x64xi32, #tpu.memory_space<vmem>>
    %dma_start3A_160 = tpu.memref_squeeze %dma_start3A_159 : memref<1x1x64xi32, #tpu.memory_space<vmem>> -> memref<64xi32, #tpu.memory_space<vmem>>
    %dma_start3A_161 = arith.constant 0 : i32
    %dma_start3A_162 = arith.constant 0 : i32
    %dma_start3A_163 = tpu.memref_slice %arg2[%dma_start3A_161, %dma_start3A_162] : memref<10000x128xf32, #tpu.memory_space<hbm>> -> memref<10000x128xf32, #tpu.memory_space<hbm>>
    %dma_start3A_164 = tpu.memref_slice %arg10[%dma_start3A_152, %dma_start3A_153] : memref<3x2x!tpu.dma_semaphore, #tpu.memory_space<semaphore_mem>> -> memref<1x1x!tpu.dma_semaphore, #tpu.memory_space<semaphore_mem>>
    %dma_start3A_165 = tpu.memref_squeeze %dma_start3A_164 : memref<1x1x!tpu.dma_semaphore, #tpu.memory_space<semaphore_mem>> -> memref<!tpu.dma_semaphore, #tpu.memory_space<semaphore_mem>>
    tpu.enqueue_indirect_dma source(%dma_start3A_163 : memref<10000x128xf32, #tpu.memory_space<hbm>>) target(%dma_start3A_157 : memref<64x128xf32, #tpu.memory_space<vmem>>) offsets(%dma_start3A_160 : memref<64xi32, #tpu.memory_space<vmem>>) semaphore(%dma_start3A_165 : memref<!tpu.dma_semaphore, #tpu.memory_space<semaphore_mem>>)
    %dma_start3A_166 = arith.constant 1 : i32
    %dma_start3A_167 = arith.constant 0 : i32
    %dma_start3A_168 = arith.constant 1 : i32
    %dma_start3A_169 = arith.constant 1 : i32
    %dma_start3A_170 = arith.constant 1 : i32
    %dma_start3A_171 = arith.constant 64 : i32
    %dma_start3A_172 = arith.constant 0 : i32
    %dma_start3A_173 = tpu.memref_slice %arg7[%dma_start3A_168, %dma_start3A_171, %dma_start3A_172] : memref<3x128x128xf32, #tpu.memory_space<vmem>> -> memref<1x64x128xf32, #tpu.memory_space<vmem>>
    %dma_start3A_174 = tpu.memref_squeeze %dma_start3A_173 : memref<1x64x128xf32, #tpu.memory_space<vmem>> -> memref<64x128xf32, #tpu.memory_space<vmem>>
    %dma_start3A_175 = arith.constant 64 : i32
    %dma_start3A_176 = tpu.memref_slice %arg6[%dma_start3A_166, %dma_start3A_167, %dma_start3A_175] : memref<3x2x128xi32, #tpu.memory_space<vmem>> -> memref<1x1x64xi32, #tpu.memory_space<vmem>>
    %dma_start3A_177 = tpu.memref_squeeze %dma_start3A_176 : memref<1x1x64xi32, #tpu.memory_space<vmem>> -> memref<64xi32, #tpu.memory_space<vmem>>
    %dma_start3A_178 = arith.constant 0 : i32
    %dma_start3A_179 = arith.constant 0 : i32
    %dma_start3A_180 = tpu.memref_slice %arg2[%dma_start3A_178, %dma_start3A_179] : memref<10000x128xf32, #tpu.memory_space<hbm>> -> memref<10000x128xf32, #tpu.memory_space<hbm>>
    %dma_start3A_181 = tpu.memref_slice %arg10[%dma_start3A_169, %dma_start3A_170] : memref<3x2x!tpu.dma_semaphore, #tpu.memory_space<semaphore_mem>> -> memref<1x1x!tpu.dma_semaphore, #tpu.memory_space<semaphore_mem>>
    %dma_start3A_182 = tpu.memref_squeeze %dma_start3A_181 : memref<1x1x!tpu.dma_semaphore, #tpu.memory_space<semaphore_mem>> -> memref<!tpu.dma_semaphore, #tpu.memory_space<semaphore_mem>>
    tpu.enqueue_indirect_dma source(%dma_start3A_180 : memref<10000x128xf32, #tpu.memory_space<hbm>>) target(%dma_start3A_174 : memref<64x128xf32, #tpu.memory_space<vmem>>) offsets(%dma_start3A_177 : memref<64xi32, #tpu.memory_space<vmem>>) semaphore(%dma_start3A_182 : memref<!tpu.dma_semaphore, #tpu.memory_space<semaphore_mem>>)
    %scan3A = arith.constant 0 : i32
    %scan3A_183 = arith.constant 0 : i32
    %scan3A_184 = arith.constant 80 : i32
    %scan3A_185 = arith.addi %scan3A_183, %scan3A_184 : i32
    %scan3A_186 = arith.constant 1 : i32
    scf.for %scan3A_193 = %scan3A_183 to %scan3A_185 step %scan3A_186  : i32 {
      %jit3A = arith.constant 3 : i32
      %eq3A = arith.constant 0 : i32
      %eq3A_194 = arith.cmpi eq, %jit3A, %eq3A : i32
      %jit3A_195 = arith.constant 1 : i32
      %select_n3A = arith.select %eq3A_194, %jit3A_195, %jit3A : i32
      %rem3A = arith.remsi %scan3A_193, %select_n3A : i32
      %ne3A = arith.constant 0 : i32
      %ne3A_196 = arith.cmpi ne, %rem3A, %ne3A : i32
      %lt3A = arith.constant 0 : i32
      %lt3A_197 = arith.cmpi slt, %rem3A, %lt3A : i32
      %lt3A_198 = arith.constant 0 : i32
      %lt3A_199 = arith.cmpi slt, %select_n3A, %lt3A_198 : i32
      %ne3A_200 = arith.xori %lt3A_197, %lt3A_199 : i1
      %and3A = arith.andi %ne3A_200, %ne3A_196 : i1
      %add3A_201 = arith.addi %rem3A, %select_n3A : i32
      %select_n3A_202 = arith.select %and3A, %add3A_201, %rem3A : i32
      %dma_wait3A_203 = arith.constant 0 : i32
      %dma_wait3A_204 = arith.constant 0 : i32
      %dma_wait3A_205 = arith.constant 0 : i32
      %dma_wait3A_206 = arith.constant 0 : i32
      %dma_wait3A_207 = tpu.memref_slice %arg7[%select_n3A_202, %dma_wait3A_205, %dma_wait3A_206] : memref<3x128x128xf32, #tpu.memory_space<vmem>> -> memref<1x64x128xf32, #tpu.memory_space<vmem>>
      %dma_wait3A_208 = tpu.memref_squeeze %dma_wait3A_207 : memref<1x64x128xf32, #tpu.memory_space<vmem>> -> memref<64x128xf32, #tpu.memory_space<vmem>>
      %dma_wait3A_209 = arith.constant 0 : i32
      %dma_wait3A_210 = tpu.memref_slice %arg6[%select_n3A_202, %dma_wait3A_203, %dma_wait3A_209] : memref<3x2x128xi32, #tpu.memory_space<vmem>> -> memref<1x1x64xi32, #tpu.memory_space<vmem>>
      %dma_wait3A_211 = tpu.memref_squeeze %dma_wait3A_210 : memref<1x1x64xi32, #tpu.memory_space<vmem>> -> memref<64xi32, #tpu.memory_space<vmem>>
      %dma_wait3A_212 = arith.constant 0 : i32
      %dma_wait3A_213 = arith.constant 0 : i32
      %dma_wait3A_214 = tpu.memref_slice %arg2[%dma_wait3A_212, %dma_wait3A_213] : memref<10000x128xf32, #tpu.memory_space<hbm>> -> memref<10000x128xf32, #tpu.memory_space<hbm>>
      %dma_wait3A_215 = tpu.memref_slice %arg10[%select_n3A_202, %dma_wait3A_204] : memref<3x2x!tpu.dma_semaphore, #tpu.memory_space<semaphore_mem>> -> memref<1x1x!tpu.dma_semaphore, #tpu.memory_space<semaphore_mem>>
      %dma_wait3A_216 = tpu.memref_squeeze %dma_wait3A_215 : memref<1x1x!tpu.dma_semaphore, #tpu.memory_space<semaphore_mem>> -> memref<!tpu.dma_semaphore, #tpu.memory_space<semaphore_mem>>
      tpu.wait_indirect_dma semaphore(%dma_wait3A_216 : memref<!tpu.dma_semaphore, #tpu.memory_space<semaphore_mem>>) src(%dma_wait3A_214 : memref<10000x128xf32, #tpu.memory_space<hbm>>) dst(%dma_wait3A_208 : memref<64x128xf32, #tpu.memory_space<vmem>>)
      %dma_wait3A_217 = arith.constant 0 : i32
      %dma_wait3A_218 = arith.constant 1 : i32
      %dma_wait3A_219 = arith.constant 64 : i32
      %dma_wait3A_220 = arith.constant 0 : i32
      %dma_wait3A_221 = tpu.memref_slice %arg7[%select_n3A_202, %dma_wait3A_219, %dma_wait3A_220] : memref<3x128x128xf32, #tpu.memory_space<vmem>> -> memref<1x64x128xf32, #tpu.memory_space<vmem>>
      %dma_wait3A_222 = tpu.memref_squeeze %dma_wait3A_221 : memref<1x64x128xf32, #tpu.memory_space<vmem>> -> memref<64x128xf32, #tpu.memory_space<vmem>>
      %dma_wait3A_223 = arith.constant 64 : i32
      %dma_wait3A_224 = tpu.memref_slice %arg6[%select_n3A_202, %dma_wait3A_217, %dma_wait3A_223] : memref<3x2x128xi32, #tpu.memory_space<vmem>> -> memref<1x1x64xi32, #tpu.memory_space<vmem>>
      %dma_wait3A_225 = tpu.memref_squeeze %dma_wait3A_224 : memref<1x1x64xi32, #tpu.memory_space<vmem>> -> memref<64xi32, #tpu.memory_space<vmem>>
      %dma_wait3A_226 = arith.constant 0 : i32
      %dma_wait3A_227 = arith.constant 0 : i32
      %dma_wait3A_228 = tpu.memref_slice %arg2[%dma_wait3A_226, %dma_wait3A_227] : memref<10000x128xf32, #tpu.memory_space<hbm>> -> memref<10000x128xf32, #tpu.memory_space<hbm>>
      %dma_wait3A_229 = tpu.memref_slice %arg10[%select_n3A_202, %dma_wait3A_218] : memref<3x2x!tpu.dma_semaphore, #tpu.memory_space<semaphore_mem>> -> memref<1x1x!tpu.dma_semaphore, #tpu.memory_space<semaphore_mem>>
      %dma_wait3A_230 = tpu.memref_squeeze %dma_wait3A_229 : memref<1x1x!tpu.dma_semaphore, #tpu.memory_space<semaphore_mem>> -> memref<!tpu.dma_semaphore, #tpu.memory_space<semaphore_mem>>
      tpu.wait_indirect_dma semaphore(%dma_wait3A_230 : memref<!tpu.dma_semaphore, #tpu.memory_space<semaphore_mem>>) src(%dma_wait3A_228 : memref<10000x128xf32, #tpu.memory_space<hbm>>) dst(%dma_wait3A_222 : memref<64x128xf32, #tpu.memory_space<vmem>>)
      %run_scoped3A = arith.constant 1 : i32
      "tpu.region"() ({
        %run_scoped3A_243 = tpu.sem_alloc : memref<!tpu.dma_semaphore, #tpu.memory_space<semaphore_mem>>
        %dma_start3A_244 = arith.constant 0 : i32
        %dma_start3A_245 = arith.constant 0 : i32
        %dma_start3A_246 = tpu.memref_slice %arg7[%select_n3A_202, %dma_start3A_244, %dma_start3A_245] : memref<3x128x128xf32, #tpu.memory_space<vmem>> -> memref<1x128x128xf32, #tpu.memory_space<vmem>>
        %dma_start3A_247 = tpu.memref_squeeze %dma_start3A_246 : memref<1x128x128xf32, #tpu.memory_space<vmem>> -> memref<128x128xf32, #tpu.memory_space<vmem>>
        %dma_start3A_248 = arith.constant 0 : i32
        %dma_start3A_249 = tpu.memref_slice %arg6[%select_n3A_202, %run_scoped3A, %dma_start3A_248] : memref<3x2x128xi32, #tpu.memory_space<vmem>> -> memref<1x1x128xi32, #tpu.memory_space<vmem>>
        %dma_start3A_250 = tpu.memref_squeeze %dma_start3A_249 : memref<1x1x128xi32, #tpu.memory_space<vmem>> -> memref<128xi32, #tpu.memory_space<vmem>>
        %dma_start3A_251 = arith.constant 0 : i32
        %dma_start3A_252 = arith.constant 0 : i32
        %dma_start3A_253 = tpu.memref_slice %arg8[%dma_start3A_251, %dma_start3A_252] : memref<10008x128xf32, #tpu.memory_space<vmem_shared>> -> memref<10008x128xf32, #tpu.memory_space<vmem_shared>>
        tpu.enqueue_indirect_dma source(%dma_start3A_247 : memref<128x128xf32, #tpu.memory_space<vmem>>) target(%dma_start3A_253 : memref<10008x128xf32, #tpu.memory_space<vmem_shared>>) offsets(%dma_start3A_250 : memref<128xi32, #tpu.memory_space<vmem>>) semaphore(%run_scoped3A_243 : memref<!tpu.dma_semaphore, #tpu.memory_space<semaphore_mem>>) {add = true}
        %dma_wait3A_254 = arith.constant 0 : i32
        %dma_wait3A_255 = arith.constant 0 : i32
        %dma_wait3A_256 = tpu.memref_slice %arg7[%select_n3A_202, %dma_wait3A_254, %dma_wait3A_255] : memref<3x128x128xf32, #tpu.memory_space<vmem>> -> memref<1x128x128xf32, #tpu.memory_space<vmem>>
        %dma_wait3A_257 = tpu.memref_squeeze %dma_wait3A_256 : memref<1x128x128xf32, #tpu.memory_space<vmem>> -> memref<128x128xf32, #tpu.memory_space<vmem>>
        %dma_wait3A_258 = arith.constant 0 : i32
        %dma_wait3A_259 = tpu.memref_slice %arg6[%select_n3A_202, %run_scoped3A, %dma_wait3A_258] : memref<3x2x128xi32, #tpu.memory_space<vmem>> -> memref<1x1x128xi32, #tpu.memory_space<vmem>>
        %dma_wait3A_260 = tpu.memref_squeeze %dma_wait3A_259 : memref<1x1x128xi32, #tpu.memory_space<vmem>> -> memref<128xi32, #tpu.memory_space<vmem>>
        %dma_wait3A_261 = arith.constant 0 : i32
        %dma_wait3A_262 = arith.constant 0 : i32
        %dma_wait3A_263 = tpu.memref_slice %arg8[%dma_wait3A_261, %dma_wait3A_262] : memref<10008x128xf32, #tpu.memory_space<vmem_shared>> -> memref<10008x128xf32, #tpu.memory_space<vmem_shared>>
        tpu.wait_indirect_dma semaphore(%run_scoped3A_243 : memref<!tpu.dma_semaphore, #tpu.memory_space<semaphore_mem>>) src(%dma_wait3A_257 : memref<128x128xf32, #tpu.memory_space<vmem>>) dst(%dma_wait3A_263 : memref<10008x128xf32, #tpu.memory_space<vmem_shared>>)
        tpu.yield
      }) : () -> ()
      %add3A_231 = arith.constant 2 : i32
      %add3A_232 = arith.addi %scan3A_193, %add3A_231 : i32
      %lt3A_233 = arith.constant 80 : i32
      %lt3A_234 = arith.cmpi slt, %add3A_232, %lt3A_233 : i32
      %convert_element_type3A = arith.extui %lt3A_234 : i1 to i32
      %cond3A = arith.constant 0 : i32
      %cond3A_235 = arith.cmpi ne, %convert_element_type3A, %cond3A : i32
      scf.if %cond3A_235 {
        %add3A_243 = arith.constant 2 : i32
        %add3A_244 = arith.addi %scan3A_193, %add3A_243 : i32
        %jit3A_245 = arith.constant 3 : i32
        %eq3A_246 = arith.constant 0 : i32
        %eq3A_247 = arith.cmpi eq, %jit3A_245, %eq3A_246 : i32
        %jit3A_248 = arith.constant 1 : i32
        %select_n3A_249 = arith.select %eq3A_247, %jit3A_248, %jit3A_245 : i32
        %rem3A_250 = arith.remsi %add3A_244, %select_n3A_249 : i32
        %ne3A_251 = arith.constant 0 : i32
        %ne3A_252 = arith.cmpi ne, %rem3A_250, %ne3A_251 : i32
        %lt3A_253 = arith.constant 0 : i32
        %lt3A_254 = arith.cmpi slt, %rem3A_250, %lt3A_253 : i32
        %lt3A_255 = arith.constant 0 : i32
        %lt3A_256 = arith.cmpi slt, %select_n3A_249, %lt3A_255 : i32
        %ne3A_257 = arith.xori %lt3A_254, %lt3A_256 : i1
        %and3A_258 = arith.andi %ne3A_257, %ne3A_252 : i1
        %add3A_259 = arith.addi %rem3A_250, %select_n3A_249 : i32
        %select_n3A_260 = arith.select %and3A_258, %add3A_259, %rem3A_250 : i32
        %add3A_261 = arith.constant 2 : i32
        %add3A_262 = arith.addi %scan3A_193, %add3A_261 : i32
        %add3A_263 = arith.addi %mul3A_2, %add3A_262 : i32
        %dma_wait3A_264 = arith.constant 0 : i32
        %dma_wait3A_265 = arith.constant 0 : i32
        %dma_wait3A_266 = tpu.memref_slice %arg6[%select_n3A_260, %dma_wait3A_264, %dma_wait3A_265] : memref<3x2x128xi32, #tpu.memory_space<vmem>> -> memref<1x2x128xi32, #tpu.memory_space<vmem>>
        %dma_wait3A_267 = tpu.memref_squeeze %dma_wait3A_266 : memref<1x2x128xi32, #tpu.memory_space<vmem>> -> memref<2x128xi32, #tpu.memory_space<vmem>>
        %dma_wait3A_268 = arith.constant 0 : i32
        %dma_wait3A_269 = arith.constant 0 : i32
        %dma_wait3A_270 = tpu.memref_slice %arg3[%add3A_263, %dma_wait3A_268, %dma_wait3A_269] : memref<2560x2x128xi32, #tpu.memory_space<hbm>> -> memref<1x2x128xi32, #tpu.memory_space<hbm>>
        %dma_wait3A_271 = tpu.memref_squeeze %dma_wait3A_270 : memref<1x2x128xi32, #tpu.memory_space<hbm>> -> memref<2x128xi32, #tpu.memory_space<hbm>>
        %dma_wait3A_272 = tpu.memref_slice %arg9[%select_n3A_260] : memref<3x!tpu.dma_semaphore, #tpu.memory_space<semaphore_mem>> -> memref<1x!tpu.dma_semaphore, #tpu.memory_space<semaphore_mem>>
        %dma_wait3A_273 = tpu.memref_squeeze %dma_wait3A_272 : memref<1x!tpu.dma_semaphore, #tpu.memory_space<semaphore_mem>> -> memref<!tpu.dma_semaphore, #tpu.memory_space<semaphore_mem>>
        %dma_wait3A_274 = arith.constant 0 : i32
        %dma_wait3A_275 = arith.constant 0 : i32
        %dma_wait3A_276 = tpu.memref_slice %arg6[%select_n3A_260, %dma_wait3A_274, %dma_wait3A_275] : memref<3x2x128xi32, #tpu.memory_space<vmem>> -> memref<1x2x128xi32, #tpu.memory_space<vmem>>
        %dma_wait3A_277 = tpu.memref_squeeze %dma_wait3A_276 : memref<1x2x128xi32, #tpu.memory_space<vmem>> -> memref<2x128xi32, #tpu.memory_space<vmem>>
        %dma_wait3A_278 = arith.constant 0 : i32
        %dma_wait3A_279 = arith.constant 0 : i32
        %dma_wait3A_280 = tpu.memref_slice %arg3[%add3A_263, %dma_wait3A_278, %dma_wait3A_279] : memref<2560x2x128xi32, #tpu.memory_space<hbm>> -> memref<1x2x128xi32, #tpu.memory_space<hbm>>
        %dma_wait3A_281 = tpu.memref_squeeze %dma_wait3A_280 : memref<1x2x128xi32, #tpu.memory_space<hbm>> -> memref<2x128xi32, #tpu.memory_space<hbm>>
        tpu.wait_dma2 semaphore(%dma_wait3A_273 : memref<!tpu.dma_semaphore, #tpu.memory_space<semaphore_mem>>) src(%dma_wait3A_281 : memref<2x128xi32, #tpu.memory_space<hbm>>) dst(%dma_wait3A_277 : memref<2x128xi32, #tpu.memory_space<vmem>>)
        %dma_start3A_282 = arith.constant 0 : i32
        %dma_start3A_283 = arith.constant 0 : i32
        %dma_start3A_284 = arith.constant 0 : i32
        %dma_start3A_285 = arith.constant 0 : i32
        %dma_start3A_286 = tpu.memref_slice %arg7[%select_n3A_260, %dma_start3A_284, %dma_start3A_285] : memref<3x128x128xf32, #tpu.memory_space<vmem>> -> memref<1x64x128xf32, #tpu.memory_space<vmem>>
        %dma_start3A_287 = tpu.memref_squeeze %dma_start3A_286 : memref<1x64x128xf32, #tpu.memory_space<vmem>> -> memref<64x128xf32, #tpu.memory_space<vmem>>
        %dma_start3A_288 = arith.constant 0 : i32
        %dma_start3A_289 = tpu.memref_slice %arg6[%select_n3A_260, %dma_start3A_282, %dma_start3A_288] : memref<3x2x128xi32, #tpu.memory_space<vmem>> -> memref<1x1x64xi32, #tpu.memory_space<vmem>>
        %dma_start3A_290 = tpu.memref_squeeze %dma_start3A_289 : memref<1x1x64xi32, #tpu.memory_space<vmem>> -> memref<64xi32, #tpu.memory_space<vmem>>
        %dma_start3A_291 = arith.constant 0 : i32
        %dma_start3A_292 = arith.constant 0 : i32
        %dma_start3A_293 = tpu.memref_slice %arg2[%dma_start3A_291, %dma_start3A_292] : memref<10000x128xf32, #tpu.memory_space<hbm>> -> memref<10000x128xf32, #tpu.memory_space<hbm>>
        %dma_start3A_294 = tpu.memref_slice %arg10[%select_n3A_260, %dma_start3A_283] : memref<3x2x!tpu.dma_semaphore, #tpu.memory_space<semaphore_mem>> -> memref<1x1x!tpu.dma_semaphore, #tpu.memory_space<semaphore_mem>>
        %dma_start3A_295 = tpu.memref_squeeze %dma_start3A_294 : memref<1x1x!tpu.dma_semaphore, #tpu.memory_space<semaphore_mem>> -> memref<!tpu.dma_semaphore, #tpu.memory_space<semaphore_mem>>
        tpu.enqueue_indirect_dma source(%dma_start3A_293 : memref<10000x128xf32, #tpu.memory_space<hbm>>) target(%dma_start3A_287 : memref<64x128xf32, #tpu.memory_space<vmem>>) offsets(%dma_start3A_290 : memref<64xi32, #tpu.memory_space<vmem>>) semaphore(%dma_start3A_295 : memref<!tpu.dma_semaphore, #tpu.memory_space<semaphore_mem>>)
        %dma_start3A_296 = arith.constant 0 : i32
        %dma_start3A_297 = arith.constant 1 : i32
        %dma_start3A_298 = arith.constant 64 : i32
        %dma_start3A_299 = arith.constant 0 : i32
        %dma_start3A_300 = tpu.memref_slice %arg7[%select_n3A_260, %dma_start3A_298, %dma_start3A_299] : memref<3x128x128xf32, #tpu.memory_space<vmem>> -> memref<1x64x128xf32, #tpu.memory_space<vmem>>
        %dma_start3A_301 = tpu.memref_squeeze %dma_start3A_300 : memref<1x64x128xf32, #tpu.memory_space<vmem>> -> memref<64x128xf32, #tpu.memory_space<vmem>>
        %dma_start3A_302 = arith.constant 64 : i32
        %dma_start3A_303 = tpu.memref_slice %arg6[%select_n3A_260, %dma_start3A_296, %dma_start3A_302] : memref<3x2x128xi32, #tpu.memory_space<vmem>> -> memref<1x1x64xi32, #tpu.memory_space<vmem>>
        %dma_start3A_304 = tpu.memref_squeeze %dma_start3A_303 : memref<1x1x64xi32, #tpu.memory_space<vmem>> -> memref<64xi32, #tpu.memory_space<vmem>>
        %dma_start3A_305 = arith.constant 0 : i32
        %dma_start3A_306 = arith.constant 0 : i32
        %dma_start3A_307 = tpu.memref_slice %arg2[%dma_start3A_305, %dma_start3A_306] : memref<10000x128xf32, #tpu.memory_space<hbm>> -> memref<10000x128xf32, #tpu.memory_space<hbm>>
        %dma_start3A_308 = tpu.memref_slice %arg10[%select_n3A_260, %dma_start3A_297] : memref<3x2x!tpu.dma_semaphore, #tpu.memory_space<semaphore_mem>> -> memref<1x1x!tpu.dma_semaphore, #tpu.memory_space<semaphore_mem>>
        %dma_start3A_309 = tpu.memref_squeeze %dma_start3A_308 : memref<1x1x!tpu.dma_semaphore, #tpu.memory_space<semaphore_mem>> -> memref<!tpu.dma_semaphore, #tpu.memory_space<semaphore_mem>>
        tpu.enqueue_indirect_dma source(%dma_start3A_307 : memref<10000x128xf32, #tpu.memory_space<hbm>>) target(%dma_start3A_301 : memref<64x128xf32, #tpu.memory_space<vmem>>) offsets(%dma_start3A_304 : memref<64xi32, #tpu.memory_space<vmem>>) semaphore(%dma_start3A_309 : memref<!tpu.dma_semaphore, #tpu.memory_space<semaphore_mem>>)
      } else {
      }
      %add3A_236 = arith.constant 3 : i32
      %add3A_237 = arith.addi %scan3A_193, %add3A_236 : i32
      %lt3A_238 = arith.constant 80 : i32
      %lt3A_239 = arith.cmpi slt, %add3A_237, %lt3A_238 : i32
      %convert_element_type3A_240 = arith.extui %lt3A_239 : i1 to i32
      %cond3A_241 = arith.constant 0 : i32
      %cond3A_242 = arith.cmpi ne, %convert_element_type3A_240, %cond3A_241 : i32
      scf.if %cond3A_242 {
        %add3A_243 = arith.constant 3 : i32
        %add3A_244 = arith.addi %scan3A_193, %add3A_243 : i32
        %add3A_245 = arith.addi %mul3A_2, %add3A_244 : i32
        %dma_start3A_246 = arith.constant 0 : i32
        %dma_start3A_247 = arith.constant 0 : i32
        %dma_start3A_248 = tpu.memref_slice %arg6[%select_n3A_202, %dma_start3A_246, %dma_start3A_247] : memref<3x2x128xi32, #tpu.memory_space<vmem>> -> memref<1x2x128xi32, #tpu.memory_space<vmem>>
        %dma_start3A_249 = tpu.memref_squeeze %dma_start3A_248 : memref<1x2x128xi32, #tpu.memory_space<vmem>> -> memref<2x128xi32, #tpu.memory_space<vmem>>
        %dma_start3A_250 = arith.constant 0 : i32
        %dma_start3A_251 = arith.constant 0 : i32
        %dma_start3A_252 = tpu.memref_slice %arg3[%add3A_245, %dma_start3A_250, %dma_start3A_251] : memref<2560x2x128xi32, #tpu.memory_space<hbm>> -> memref<1x2x128xi32, #tpu.memory_space<hbm>>
        %dma_start3A_253 = tpu.memref_squeeze %dma_start3A_252 : memref<1x2x128xi32, #tpu.memory_space<hbm>> -> memref<2x128xi32, #tpu.memory_space<hbm>>
        %dma_start3A_254 = tpu.memref_slice %arg9[%select_n3A_202] : memref<3x!tpu.dma_semaphore, #tpu.memory_space<semaphore_mem>> -> memref<1x!tpu.dma_semaphore, #tpu.memory_space<semaphore_mem>>
        %dma_start3A_255 = tpu.memref_squeeze %dma_start3A_254 : memref<1x!tpu.dma_semaphore, #tpu.memory_space<semaphore_mem>> -> memref<!tpu.dma_semaphore, #tpu.memory_space<semaphore_mem>>
        %dma_start3A_256 = arith.constant 0 : i32
        %dma_start3A_257 = arith.constant 0 : i32
        %dma_start3A_258 = tpu.memref_slice %arg6[%select_n3A_202, %dma_start3A_256, %dma_start3A_257] : memref<3x2x128xi32, #tpu.memory_space<vmem>> -> memref<1x2x128xi32, #tpu.memory_space<vmem>>
        %dma_start3A_259 = tpu.memref_squeeze %dma_start3A_258 : memref<1x2x128xi32, #tpu.memory_space<vmem>> -> memref<2x128xi32, #tpu.memory_space<vmem>>
        %dma_start3A_260 = arith.constant 0 : i32
        %dma_start3A_261 = arith.constant 0 : i32
        %dma_start3A_262 = tpu.memref_slice %arg3[%add3A_245, %dma_start3A_260, %dma_start3A_261] : memref<2560x2x128xi32, #tpu.memory_space<hbm>> -> memref<1x2x128xi32, #tpu.memory_space<hbm>>
        %dma_start3A_263 = tpu.memref_squeeze %dma_start3A_262 : memref<1x2x128xi32, #tpu.memory_space<hbm>> -> memref<2x128xi32, #tpu.memory_space<hbm>>
        tpu.enqueue_dma source(%dma_start3A_263 : memref<2x128xi32, #tpu.memory_space<hbm>>) target(%dma_start3A_259 : memref<2x128xi32, #tpu.memory_space<vmem>>) target_semaphore(%dma_start3A_255 : memref<!tpu.dma_semaphore, #tpu.memory_space<semaphore_mem>>)
      } else {
      }
    }
    %scan3A_187 = arith.constant 80 : i32
    %barrier3A_188 = arith.constant 0 : index
    tpu.barrier barrier_id(%barrier3A_188)
    %mul3A_189 = arith.constant 624 : i32
    %mul3A_190 = arith.muli %arg1, %mul3A_189 : i32
    %mul3A_191 = arith.constant 624 : i32
    %mul3A_192 = arith.muli %arg1, %mul3A_191 : i32
    "tpu.region"() ({
      %run_scoped3A = tpu.sem_alloc : memref<!tpu.dma_semaphore, #tpu.memory_space<semaphore_mem>>
      %dma_start3A_193 = arith.constant 0 : i32
      %dma_start3A_194 = tpu.memref_slice %arg5[%arg0, %mul3A_192, %dma_start3A_193] : memref<2x10000x128xf32, #tpu.memory_space<hbm>> -> memref<1x640x128xf32, #tpu.memory_space<hbm>>
      %dma_start3A_195 = tpu.memref_squeeze %dma_start3A_194 : memref<1x640x128xf32, #tpu.memory_space<hbm>> -> memref<640x128xf32, #tpu.memory_space<hbm>>
      %dma_start3A_196 = arith.constant 0 : i32
      %dma_start3A_197 = tpu.memref_slice %arg8[%mul3A_190, %dma_start3A_196] : memref<10008x128xf32, #tpu.memory_space<vmem_shared>> -> memref<640x128xf32, #tpu.memory_space<vmem_shared>>
      tpu.enqueue_dma source(%dma_start3A_197 : memref<640x128xf32, #tpu.memory_space<vmem_shared>>) target(%dma_start3A_195 : memref<640x128xf32, #tpu.memory_space<hbm>>) target_semaphore(%run_scoped3A : memref<!tpu.dma_semaphore, #tpu.memory_space<semaphore_mem>>)
      %dma_wait3A_198 = arith.constant 0 : i32
      %dma_wait3A_199 = tpu.memref_slice %arg5[%arg0, %mul3A_192, %dma_wait3A_198] : memref<2x10000x128xf32, #tpu.memory_space<hbm>> -> memref<1x640x128xf32, #tpu.memory_space<hbm>>
      %dma_wait3A_200 = tpu.memref_squeeze %dma_wait3A_199 : memref<1x640x128xf32, #tpu.memory_space<hbm>> -> memref<640x128xf32, #tpu.memory_space<hbm>>
      %dma_wait3A_201 = arith.constant 0 : i32
      %dma_wait3A_202 = tpu.memref_slice %arg8[%mul3A_190, %dma_wait3A_201] : memref<10008x128xf32, #tpu.memory_space<vmem_shared>> -> memref<640x128xf32, #tpu.memory_space<vmem_shared>>
      tpu.wait_dma2 semaphore(%run_scoped3A : memref<!tpu.dma_semaphore, #tpu.memory_space<semaphore_mem>>) src(%dma_wait3A_202 : memref<640x128xf32, #tpu.memory_space<vmem_shared>>) dst(%dma_wait3A_200 : memref<640x128xf32, #tpu.memory_space<hbm>>)
      tpu.yield
    }) : () -> ()
    return
  }
}

#map = affine_map<(d0, d1) -> (0, 0)>
#map1 = affine_map<(d0, d1) -> (0, 0, 0)>
module attributes {stable_mosaic.version = 14 : i64} {
  func.func @_sc_aggregate_body(%arg0: i32, %arg1: i32, %arg2: memref<10000x128xf32, #tpu.memory_space<hbm>>, %arg3: memref<2560x2x128xi32, #tpu.memory_space<hbm>>, %arg4: memref<10008x128xf32, #tpu.memory_space<hbm>>, %arg5: memref<2x10000x128xf32, #tpu.memory_space<hbm>>, %arg6: memref<3x2x128xi32, #tpu.memory_space<vmem>>, %arg7: memref<3x128x128xf32, #tpu.memory_space<vmem>>, %arg8: memref<10008x128xf32, #tpu.memory_space<vmem_shared>>, %arg9: memref<3x!tpu.dma_semaphore, #tpu.memory_space<semaphore_mem>>, %arg10: memref<3x2x!tpu.dma_semaphore, #tpu.memory_space<semaphore_mem>>) attributes {dimension_semantics = [#tpu.dimension_semantics<core_parallel>, #tpu.dimension_semantics<subcore_parallel>], iteration_bounds = array<i64: 2, 16>, scalar_prefetch = 0 : i64, scratch_operands = 5 : i64, tpu.core_type = #tpu.core_type<sc_vector_subcore>, window_params = [{transform_indices = #map}, {transform_indices = #map1}, {transform_indices = #map}, {transform_indices = #map1}]} {
    %mul3A = arith.constant 16 : i32
    %mul3A_0 = arith.muli %arg0, %mul3A : i32
    %add3A = arith.addi %mul3A_0, %arg1 : i32
    %mul3A_1 = arith.constant 80 : i32
    %mul3A_2 = arith.muli %add3A, %mul3A_1 : i32
    %mul3A_3 = arith.constant 624 : i32
    %mul3A_4 = arith.muli %arg1, %mul3A_3 : i32
    %mul3A_5 = arith.constant 624 : i32
    %mul3A_6 = arith.muli %arg1, %mul3A_5 : i32
    "tpu.region"() ({
      %run_scoped3A = tpu.sem_alloc : memref<!tpu.dma_semaphore, #tpu.memory_space<semaphore_mem>>
      %dma_start3A_193 = arith.constant 0 : i32
      %dma_start3A_194 = tpu.memref_slice %arg8[%mul3A_6, %dma_start3A_193] : memref<10008x128xf32, #tpu.memory_space<vmem_shared>> -> memref<648x128xf32, #tpu.memory_space<vmem_shared>>
      %dma_start3A_195 = arith.constant 0 : i32
      %dma_start3A_196 = tpu.memref_slice %arg4[%mul3A_4, %dma_start3A_195] : memref<10008x128xf32, #tpu.memory_space<hbm>> -> memref<648x128xf32, #tpu.memory_space<hbm>>
      tpu.enqueue_dma source(%dma_start3A_196 : memref<648x128xf32, #tpu.memory_space<hbm>>) target(%dma_start3A_194 : memref<648x128xf32, #tpu.memory_space<vmem_shared>>) target_semaphore(%run_scoped3A : memref<!tpu.dma_semaphore, #tpu.memory_space<semaphore_mem>>)
      %dma_wait3A_197 = arith.constant 0 : i32
      %dma_wait3A_198 = tpu.memref_slice %arg8[%mul3A_6, %dma_wait3A_197] : memref<10008x128xf32, #tpu.memory_space<vmem_shared>> -> memref<648x128xf32, #tpu.memory_space<vmem_shared>>
      %dma_wait3A_199 = arith.constant 0 : i32
      %dma_wait3A_200 = tpu.memref_slice %arg4[%mul3A_4, %dma_wait3A_199] : memref<10008x128xf32, #tpu.memory_space<hbm>> -> memref<648x128xf32, #tpu.memory_space<hbm>>
      tpu.wait_dma2 semaphore(%run_scoped3A : memref<!tpu.dma_semaphore, #tpu.memory_space<semaphore_mem>>) src(%dma_wait3A_200 : memref<648x128xf32, #tpu.memory_space<hbm>>) dst(%dma_wait3A_198 : memref<648x128xf32, #tpu.memory_space<vmem_shared>>)
      tpu.yield
    }) : () -> ()
    %barrier3A = arith.constant 0 : index
    tpu.barrier barrier_id(%barrier3A)
    %add3A_7 = arith.constant 0 : i32
    %add3A_8 = arith.addi %mul3A_2, %add3A_7 : i32
    %dma_start3A = arith.constant 0 : i32
    %dma_start3A_9 = arith.constant 0 : i32
    %dma_start3A_10 = arith.constant 0 : i32
    %dma_start3A_11 = arith.constant 0 : i32
    %dma_start3A_12 = tpu.memref_slice %arg6[%dma_start3A, %dma_start3A_10, %dma_start3A_11] : memref<3x2x128xi32, #tpu.memory_space<vmem>> -> memref<1x2x128xi32, #tpu.memory_space<vmem>>
    %dma_start3A_13 = tpu.memref_squeeze %dma_start3A_12 : memref<1x2x128xi32, #tpu.memory_space<vmem>> -> memref<2x128xi32, #tpu.memory_space<vmem>>
    %dma_start3A_14 = arith.constant 0 : i32
    %dma_start3A_15 = arith.constant 0 : i32
    %dma_start3A_16 = tpu.memref_slice %arg3[%add3A_8, %dma_start3A_14, %dma_start3A_15] : memref<2560x2x128xi32, #tpu.memory_space<hbm>> -> memref<1x2x128xi32, #tpu.memory_space<hbm>>
    %dma_start3A_17 = tpu.memref_squeeze %dma_start3A_16 : memref<1x2x128xi32, #tpu.memory_space<hbm>> -> memref<2x128xi32, #tpu.memory_space<hbm>>
    %dma_start3A_18 = tpu.memref_slice %arg9[%dma_start3A_9] : memref<3x!tpu.dma_semaphore, #tpu.memory_space<semaphore_mem>> -> memref<1x!tpu.dma_semaphore, #tpu.memory_space<semaphore_mem>>
    %dma_start3A_19 = tpu.memref_squeeze %dma_start3A_18 : memref<1x!tpu.dma_semaphore, #tpu.memory_space<semaphore_mem>> -> memref<!tpu.dma_semaphore, #tpu.memory_space<semaphore_mem>>
    %dma_start3A_20 = arith.constant 0 : i32
    %dma_start3A_21 = arith.constant 0 : i32
    %dma_start3A_22 = tpu.memref_slice %arg6[%dma_start3A, %dma_start3A_20, %dma_start3A_21] : memref<3x2x128xi32, #tpu.memory_space<vmem>> -> memref<1x2x128xi32, #tpu.memory_space<vmem>>
    %dma_start3A_23 = tpu.memref_squeeze %dma_start3A_22 : memref<1x2x128xi32, #tpu.memory_space<vmem>> -> memref<2x128xi32, #tpu.memory_space<vmem>>
    %dma_start3A_24 = arith.constant 0 : i32
    %dma_start3A_25 = arith.constant 0 : i32
    %dma_start3A_26 = tpu.memref_slice %arg3[%add3A_8, %dma_start3A_24, %dma_start3A_25] : memref<2560x2x128xi32, #tpu.memory_space<hbm>> -> memref<1x2x128xi32, #tpu.memory_space<hbm>>
    %dma_start3A_27 = tpu.memref_squeeze %dma_start3A_26 : memref<1x2x128xi32, #tpu.memory_space<hbm>> -> memref<2x128xi32, #tpu.memory_space<hbm>>
    tpu.enqueue_dma source(%dma_start3A_27 : memref<2x128xi32, #tpu.memory_space<hbm>>) target(%dma_start3A_23 : memref<2x128xi32, #tpu.memory_space<vmem>>) target_semaphore(%dma_start3A_19 : memref<!tpu.dma_semaphore, #tpu.memory_space<semaphore_mem>>)
    %add3A_28 = arith.constant 1 : i32
    %add3A_29 = arith.addi %mul3A_2, %add3A_28 : i32
    %dma_start3A_30 = arith.constant 1 : i32
    %dma_start3A_31 = arith.constant 1 : i32
    %dma_start3A_32 = arith.constant 0 : i32
    %dma_start3A_33 = arith.constant 0 : i32
    %dma_start3A_34 = tpu.memref_slice %arg6[%dma_start3A_30, %dma_start3A_32, %dma_start3A_33] : memref<3x2x128xi32, #tpu.memory_space<vmem>> -> memref<1x2x128xi32, #tpu.memory_space<vmem>>
    %dma_start3A_35 = tpu.memref_squeeze %dma_start3A_34 : memref<1x2x128xi32, #tpu.memory_space<vmem>> -> memref<2x128xi32, #tpu.memory_space<vmem>>
    %dma_start3A_36 = arith.constant 0 : i32
    %dma_start3A_37 = arith.constant 0 : i32
    %dma_start3A_38 = tpu.memref_slice %arg3[%add3A_29, %dma_start3A_36, %dma_start3A_37] : memref<2560x2x128xi32, #tpu.memory_space<hbm>> -> memref<1x2x128xi32, #tpu.memory_space<hbm>>
    %dma_start3A_39 = tpu.memref_squeeze %dma_start3A_38 : memref<1x2x128xi32, #tpu.memory_space<hbm>> -> memref<2x128xi32, #tpu.memory_space<hbm>>
    %dma_start3A_40 = tpu.memref_slice %arg9[%dma_start3A_31] : memref<3x!tpu.dma_semaphore, #tpu.memory_space<semaphore_mem>> -> memref<1x!tpu.dma_semaphore, #tpu.memory_space<semaphore_mem>>
    %dma_start3A_41 = tpu.memref_squeeze %dma_start3A_40 : memref<1x!tpu.dma_semaphore, #tpu.memory_space<semaphore_mem>> -> memref<!tpu.dma_semaphore, #tpu.memory_space<semaphore_mem>>
    %dma_start3A_42 = arith.constant 0 : i32
    %dma_start3A_43 = arith.constant 0 : i32
    %dma_start3A_44 = tpu.memref_slice %arg6[%dma_start3A_30, %dma_start3A_42, %dma_start3A_43] : memref<3x2x128xi32, #tpu.memory_space<vmem>> -> memref<1x2x128xi32, #tpu.memory_space<vmem>>
    %dma_start3A_45 = tpu.memref_squeeze %dma_start3A_44 : memref<1x2x128xi32, #tpu.memory_space<vmem>> -> memref<2x128xi32, #tpu.memory_space<vmem>>
    %dma_start3A_46 = arith.constant 0 : i32
    %dma_start3A_47 = arith.constant 0 : i32
    %dma_start3A_48 = tpu.memref_slice %arg3[%add3A_29, %dma_start3A_46, %dma_start3A_47] : memref<2560x2x128xi32, #tpu.memory_space<hbm>> -> memref<1x2x128xi32, #tpu.memory_space<hbm>>
    %dma_start3A_49 = tpu.memref_squeeze %dma_start3A_48 : memref<1x2x128xi32, #tpu.memory_space<hbm>> -> memref<2x128xi32, #tpu.memory_space<hbm>>
    tpu.enqueue_dma source(%dma_start3A_49 : memref<2x128xi32, #tpu.memory_space<hbm>>) target(%dma_start3A_45 : memref<2x128xi32, #tpu.memory_space<vmem>>) target_semaphore(%dma_start3A_41 : memref<!tpu.dma_semaphore, #tpu.memory_space<semaphore_mem>>)
    %add3A_50 = arith.constant 2 : i32
    %add3A_51 = arith.addi %mul3A_2, %add3A_50 : i32
    %dma_start3A_52 = arith.constant 2 : i32
    %dma_start3A_53 = arith.constant 2 : i32
    %dma_start3A_54 = arith.constant 0 : i32
    %dma_start3A_55 = arith.constant 0 : i32
    %dma_start3A_56 = tpu.memref_slice %arg6[%dma_start3A_52, %dma_start3A_54, %dma_start3A_55] : memref<3x2x128xi32, #tpu.memory_space<vmem>> -> memref<1x2x128xi32, #tpu.memory_space<vmem>>
    %dma_start3A_57 = tpu.memref_squeeze %dma_start3A_56 : memref<1x2x128xi32, #tpu.memory_space<vmem>> -> memref<2x128xi32, #tpu.memory_space<vmem>>
    %dma_start3A_58 = arith.constant 0 : i32
    %dma_start3A_59 = arith.constant 0 : i32
    %dma_start3A_60 = tpu.memref_slice %arg3[%add3A_51, %dma_start3A_58, %dma_start3A_59] : memref<2560x2x128xi32, #tpu.memory_space<hbm>> -> memref<1x2x128xi32, #tpu.memory_space<hbm>>
    %dma_start3A_61 = tpu.memref_squeeze %dma_start3A_60 : memref<1x2x128xi32, #tpu.memory_space<hbm>> -> memref<2x128xi32, #tpu.memory_space<hbm>>
    %dma_start3A_62 = tpu.memref_slice %arg9[%dma_start3A_53] : memref<3x!tpu.dma_semaphore, #tpu.memory_space<semaphore_mem>> -> memref<1x!tpu.dma_semaphore, #tpu.memory_space<semaphore_mem>>
    %dma_start3A_63 = tpu.memref_squeeze %dma_start3A_62 : memref<1x!tpu.dma_semaphore, #tpu.memory_space<semaphore_mem>> -> memref<!tpu.dma_semaphore, #tpu.memory_space<semaphore_mem>>
    %dma_start3A_64 = arith.constant 0 : i32
    %dma_start3A_65 = arith.constant 0 : i32
    %dma_start3A_66 = tpu.memref_slice %arg6[%dma_start3A_52, %dma_start3A_64, %dma_start3A_65] : memref<3x2x128xi32, #tpu.memory_space<vmem>> -> memref<1x2x128xi32, #tpu.memory_space<vmem>>
    %dma_start3A_67 = tpu.memref_squeeze %dma_start3A_66 : memref<1x2x128xi32, #tpu.memory_space<vmem>> -> memref<2x128xi32, #tpu.memory_space<vmem>>
    %dma_start3A_68 = arith.constant 0 : i32
    %dma_start3A_69 = arith.constant 0 : i32
    %dma_start3A_70 = tpu.memref_slice %arg3[%add3A_51, %dma_start3A_68, %dma_start3A_69] : memref<2560x2x128xi32, #tpu.memory_space<hbm>> -> memref<1x2x128xi32, #tpu.memory_space<hbm>>
    %dma_start3A_71 = tpu.memref_squeeze %dma_start3A_70 : memref<1x2x128xi32, #tpu.memory_space<hbm>> -> memref<2x128xi32, #tpu.memory_space<hbm>>
    tpu.enqueue_dma source(%dma_start3A_71 : memref<2x128xi32, #tpu.memory_space<hbm>>) target(%dma_start3A_67 : memref<2x128xi32, #tpu.memory_space<vmem>>) target_semaphore(%dma_start3A_63 : memref<!tpu.dma_semaphore, #tpu.memory_space<semaphore_mem>>)
    %add3A_72 = arith.constant 0 : i32
    %add3A_73 = arith.addi %mul3A_2, %add3A_72 : i32
    %dma_wait3A = arith.constant 0 : i32
    %dma_wait3A_74 = arith.constant 0 : i32
    %dma_wait3A_75 = arith.constant 0 : i32
    %dma_wait3A_76 = arith.constant 0 : i32
    %dma_wait3A_77 = tpu.memref_slice %arg6[%dma_wait3A, %dma_wait3A_75, %dma_wait3A_76] : memref<3x2x128xi32, #tpu.memory_space<vmem>> -> memref<1x2x128xi32, #tpu.memory_space<vmem>>
    %dma_wait3A_78 = tpu.memref_squeeze %dma_wait3A_77 : memref<1x2x128xi32, #tpu.memory_space<vmem>> -> memref<2x128xi32, #tpu.memory_space<vmem>>
    %dma_wait3A_79 = arith.constant 0 : i32
    %dma_wait3A_80 = arith.constant 0 : i32
    %dma_wait3A_81 = tpu.memref_slice %arg3[%add3A_73, %dma_wait3A_79, %dma_wait3A_80] : memref<2560x2x128xi32, #tpu.memory_space<hbm>> -> memref<1x2x128xi32, #tpu.memory_space<hbm>>
    %dma_wait3A_82 = tpu.memref_squeeze %dma_wait3A_81 : memref<1x2x128xi32, #tpu.memory_space<hbm>> -> memref<2x128xi32, #tpu.memory_space<hbm>>
    %dma_wait3A_83 = tpu.memref_slice %arg9[%dma_wait3A_74] : memref<3x!tpu.dma_semaphore, #tpu.memory_space<semaphore_mem>> -> memref<1x!tpu.dma_semaphore, #tpu.memory_space<semaphore_mem>>
    %dma_wait3A_84 = tpu.memref_squeeze %dma_wait3A_83 : memref<1x!tpu.dma_semaphore, #tpu.memory_space<semaphore_mem>> -> memref<!tpu.dma_semaphore, #tpu.memory_space<semaphore_mem>>
    %dma_wait3A_85 = arith.constant 0 : i32
    %dma_wait3A_86 = arith.constant 0 : i32
    %dma_wait3A_87 = tpu.memref_slice %arg6[%dma_wait3A, %dma_wait3A_85, %dma_wait3A_86] : memref<3x2x128xi32, #tpu.memory_space<vmem>> -> memref<1x2x128xi32, #tpu.memory_space<vmem>>
    %dma_wait3A_88 = tpu.memref_squeeze %dma_wait3A_87 : memref<1x2x128xi32, #tpu.memory_space<vmem>> -> memref<2x128xi32, #tpu.memory_space<vmem>>
    %dma_wait3A_89 = arith.constant 0 : i32
    %dma_wait3A_90 = arith.constant 0 : i32
    %dma_wait3A_91 = tpu.memref_slice %arg3[%add3A_73, %dma_wait3A_89, %dma_wait3A_90] : memref<2560x2x128xi32, #tpu.memory_space<hbm>> -> memref<1x2x128xi32, #tpu.memory_space<hbm>>
    %dma_wait3A_92 = tpu.memref_squeeze %dma_wait3A_91 : memref<1x2x128xi32, #tpu.memory_space<hbm>> -> memref<2x128xi32, #tpu.memory_space<hbm>>
    tpu.wait_dma2 semaphore(%dma_wait3A_84 : memref<!tpu.dma_semaphore, #tpu.memory_space<semaphore_mem>>) src(%dma_wait3A_92 : memref<2x128xi32, #tpu.memory_space<hbm>>) dst(%dma_wait3A_88 : memref<2x128xi32, #tpu.memory_space<vmem>>)
    %dma_start3A_93 = arith.constant 0 : i32
    %dma_start3A_94 = arith.constant 0 : i32
    %dma_start3A_95 = arith.constant 0 : i32
    %dma_start3A_96 = arith.constant 0 : i32
    %dma_start3A_97 = arith.constant 0 : i32
    %dma_start3A_98 = arith.constant 0 : i32
    %dma_start3A_99 = arith.constant 0 : i32
    %dma_start3A_100 = tpu.memref_slice %arg7[%dma_start3A_95, %dma_start3A_98, %dma_start3A_99] : memref<3x128x128xf32, #tpu.memory_space<vmem>> -> memref<1x64x128xf32, #tpu.memory_space<vmem>>
    %dma_start3A_101 = tpu.memref_squeeze %dma_start3A_100 : memref<1x64x128xf32, #tpu.memory_space<vmem>> -> memref<64x128xf32, #tpu.memory_space<vmem>>
    %dma_start3A_102 = arith.constant 0 : i32
    %dma_start3A_103 = tpu.memref_slice %arg6[%dma_start3A_93, %dma_start3A_94, %dma_start3A_102] : memref<3x2x128xi32, #tpu.memory_space<vmem>> -> memref<1x1x64xi32, #tpu.memory_space<vmem>>
    %dma_start3A_104 = tpu.memref_squeeze %dma_start3A_103 : memref<1x1x64xi32, #tpu.memory_space<vmem>> -> memref<64xi32, #tpu.memory_space<vmem>>
    %dma_start3A_105 = arith.constant 0 : i32
    %dma_start3A_106 = arith.constant 0 : i32
    %dma_start3A_107 = tpu.memref_slice %arg2[%dma_start3A_105, %dma_start3A_106] : memref<10000x128xf32, #tpu.memory_space<hbm>> -> memref<10000x128xf32, #tpu.memory_space<hbm>>
    %dma_start3A_108 = tpu.memref_slice %arg10[%dma_start3A_96, %dma_start3A_97] : memref<3x2x!tpu.dma_semaphore, #tpu.memory_space<semaphore_mem>> -> memref<1x1x!tpu.dma_semaphore, #tpu.memory_space<semaphore_mem>>
    %dma_start3A_109 = tpu.memref_squeeze %dma_start3A_108 : memref<1x1x!tpu.dma_semaphore, #tpu.memory_space<semaphore_mem>> -> memref<!tpu.dma_semaphore, #tpu.memory_space<semaphore_mem>>
    tpu.enqueue_indirect_dma source(%dma_start3A_107 : memref<10000x128xf32, #tpu.memory_space<hbm>>) target(%dma_start3A_101 : memref<64x128xf32, #tpu.memory_space<vmem>>) offsets(%dma_start3A_104 : memref<64xi32, #tpu.memory_space<vmem>>) semaphore(%dma_start3A_109 : memref<!tpu.dma_semaphore, #tpu.memory_space<semaphore_mem>>)
    %dma_start3A_110 = arith.constant 0 : i32
    %dma_start3A_111 = arith.constant 0 : i32
    %dma_start3A_112 = arith.constant 0 : i32
    %dma_start3A_113 = arith.constant 0 : i32
    %dma_start3A_114 = arith.constant 1 : i32
    %dma_start3A_115 = arith.constant 64 : i32
    %dma_start3A_116 = arith.constant 0 : i32
    %dma_start3A_117 = tpu.memref_slice %arg7[%dma_start3A_112, %dma_start3A_115, %dma_start3A_116] : memref<3x128x128xf32, #tpu.memory_space<vmem>> -> memref<1x64x128xf32, #tpu.memory_space<vmem>>
    %dma_start3A_118 = tpu.memref_squeeze %dma_start3A_117 : memref<1x64x128xf32, #tpu.memory_space<vmem>> -> memref<64x128xf32, #tpu.memory_space<vmem>>
    %dma_start3A_119 = arith.constant 64 : i32
    %dma_start3A_120 = tpu.memref_slice %arg6[%dma_start3A_110, %dma_start3A_111, %dma_start3A_119] : memref<3x2x128xi32, #tpu.memory_space<vmem>> -> memref<1x1x64xi32, #tpu.memory_space<vmem>>
    %dma_start3A_121 = tpu.memref_squeeze %dma_start3A_120 : memref<1x1x64xi32, #tpu.memory_space<vmem>> -> memref<64xi32, #tpu.memory_space<vmem>>
    %dma_start3A_122 = arith.constant 0 : i32
    %dma_start3A_123 = arith.constant 0 : i32
    %dma_start3A_124 = tpu.memref_slice %arg2[%dma_start3A_122, %dma_start3A_123] : memref<10000x128xf32, #tpu.memory_space<hbm>> -> memref<10000x128xf32, #tpu.memory_space<hbm>>
    %dma_start3A_125 = tpu.memref_slice %arg10[%dma_start3A_113, %dma_start3A_114] : memref<3x2x!tpu.dma_semaphore, #tpu.memory_space<semaphore_mem>> -> memref<1x1x!tpu.dma_semaphore, #tpu.memory_space<semaphore_mem>>
    %dma_start3A_126 = tpu.memref_squeeze %dma_start3A_125 : memref<1x1x!tpu.dma_semaphore, #tpu.memory_space<semaphore_mem>> -> memref<!tpu.dma_semaphore, #tpu.memory_space<semaphore_mem>>
    tpu.enqueue_indirect_dma source(%dma_start3A_124 : memref<10000x128xf32, #tpu.memory_space<hbm>>) target(%dma_start3A_118 : memref<64x128xf32, #tpu.memory_space<vmem>>) offsets(%dma_start3A_121 : memref<64xi32, #tpu.memory_space<vmem>>) semaphore(%dma_start3A_126 : memref<!tpu.dma_semaphore, #tpu.memory_space<semaphore_mem>>)
    %add3A_127 = arith.constant 1 : i32
    %add3A_128 = arith.addi %mul3A_2, %add3A_127 : i32
    %dma_wait3A_129 = arith.constant 1 : i32
    %dma_wait3A_130 = arith.constant 1 : i32
    %dma_wait3A_131 = arith.constant 0 : i32
    %dma_wait3A_132 = arith.constant 0 : i32
    %dma_wait3A_133 = tpu.memref_slice %arg6[%dma_wait3A_129, %dma_wait3A_131, %dma_wait3A_132] : memref<3x2x128xi32, #tpu.memory_space<vmem>> -> memref<1x2x128xi32, #tpu.memory_space<vmem>>
    %dma_wait3A_134 = tpu.memref_squeeze %dma_wait3A_133 : memref<1x2x128xi32, #tpu.memory_space<vmem>> -> memref<2x128xi32, #tpu.memory_space<vmem>>
    %dma_wait3A_135 = arith.constant 0 : i32
    %dma_wait3A_136 = arith.constant 0 : i32
    %dma_wait3A_137 = tpu.memref_slice %arg3[%add3A_128, %dma_wait3A_135, %dma_wait3A_136] : memref<2560x2x128xi32, #tpu.memory_space<hbm>> -> memref<1x2x128xi32, #tpu.memory_space<hbm>>
    %dma_wait3A_138 = tpu.memref_squeeze %dma_wait3A_137 : memref<1x2x128xi32, #tpu.memory_space<hbm>> -> memref<2x128xi32, #tpu.memory_space<hbm>>
    %dma_wait3A_139 = tpu.memref_slice %arg9[%dma_wait3A_130] : memref<3x!tpu.dma_semaphore, #tpu.memory_space<semaphore_mem>> -> memref<1x!tpu.dma_semaphore, #tpu.memory_space<semaphore_mem>>
    %dma_wait3A_140 = tpu.memref_squeeze %dma_wait3A_139 : memref<1x!tpu.dma_semaphore, #tpu.memory_space<semaphore_mem>> -> memref<!tpu.dma_semaphore, #tpu.memory_space<semaphore_mem>>
    %dma_wait3A_141 = arith.constant 0 : i32
    %dma_wait3A_142 = arith.constant 0 : i32
    %dma_wait3A_143 = tpu.memref_slice %arg6[%dma_wait3A_129, %dma_wait3A_141, %dma_wait3A_142] : memref<3x2x128xi32, #tpu.memory_space<vmem>> -> memref<1x2x128xi32, #tpu.memory_space<vmem>>
    %dma_wait3A_144 = tpu.memref_squeeze %dma_wait3A_143 : memref<1x2x128xi32, #tpu.memory_space<vmem>> -> memref<2x128xi32, #tpu.memory_space<vmem>>
    %dma_wait3A_145 = arith.constant 0 : i32
    %dma_wait3A_146 = arith.constant 0 : i32
    %dma_wait3A_147 = tpu.memref_slice %arg3[%add3A_128, %dma_wait3A_145, %dma_wait3A_146] : memref<2560x2x128xi32, #tpu.memory_space<hbm>> -> memref<1x2x128xi32, #tpu.memory_space<hbm>>
    %dma_wait3A_148 = tpu.memref_squeeze %dma_wait3A_147 : memref<1x2x128xi32, #tpu.memory_space<hbm>> -> memref<2x128xi32, #tpu.memory_space<hbm>>
    tpu.wait_dma2 semaphore(%dma_wait3A_140 : memref<!tpu.dma_semaphore, #tpu.memory_space<semaphore_mem>>) src(%dma_wait3A_148 : memref<2x128xi32, #tpu.memory_space<hbm>>) dst(%dma_wait3A_144 : memref<2x128xi32, #tpu.memory_space<vmem>>)
    %dma_start3A_149 = arith.constant 1 : i32
    %dma_start3A_150 = arith.constant 0 : i32
    %dma_start3A_151 = arith.constant 1 : i32
    %dma_start3A_152 = arith.constant 1 : i32
    %dma_start3A_153 = arith.constant 0 : i32
    %dma_start3A_154 = arith.constant 0 : i32
    %dma_start3A_155 = arith.constant 0 : i32
    %dma_start3A_156 = tpu.memref_slice %arg7[%dma_start3A_151, %dma_start3A_154, %dma_start3A_155] : memref<3x128x128xf32, #tpu.memory_space<vmem>> -> memref<1x64x128xf32, #tpu.memory_space<vmem>>
    %dma_start3A_157 = tpu.memref_squeeze %dma_start3A_156 : memref<1x64x128xf32, #tpu.memory_space<vmem>> -> memref<64x128xf32, #tpu.memory_space<vmem>>
    %dma_start3A_158 = arith.constant 0 : i32
    %dma_start3A_159 = tpu.memref_slice %arg6[%dma_start3A_149, %dma_start3A_150, %dma_start3A_158] : memref<3x2x128xi32, #tpu.memory_space<vmem>> -> memref<1x1x64xi32, #tpu.memory_space<vmem>>
    %dma_start3A_160 = tpu.memref_squeeze %dma_start3A_159 : memref<1x1x64xi32, #tpu.memory_space<vmem>> -> memref<64xi32, #tpu.memory_space<vmem>>
    %dma_start3A_161 = arith.constant 0 : i32
    %dma_start3A_162 = arith.constant 0 : i32
    %dma_start3A_163 = tpu.memref_slice %arg2[%dma_start3A_161, %dma_start3A_162] : memref<10000x128xf32, #tpu.memory_space<hbm>> -> memref<10000x128xf32, #tpu.memory_space<hbm>>
    %dma_start3A_164 = tpu.memref_slice %arg10[%dma_start3A_152, %dma_start3A_153] : memref<3x2x!tpu.dma_semaphore, #tpu.memory_space<semaphore_mem>> -> memref<1x1x!tpu.dma_semaphore, #tpu.memory_space<semaphore_mem>>
    %dma_start3A_165 = tpu.memref_squeeze %dma_start3A_164 : memref<1x1x!tpu.dma_semaphore, #tpu.memory_space<semaphore_mem>> -> memref<!tpu.dma_semaphore, #tpu.memory_space<semaphore_mem>>
    tpu.enqueue_indirect_dma source(%dma_start3A_163 : memref<10000x128xf32, #tpu.memory_space<hbm>>) target(%dma_start3A_157 : memref<64x128xf32, #tpu.memory_space<vmem>>) offsets(%dma_start3A_160 : memref<64xi32, #tpu.memory_space<vmem>>) semaphore(%dma_start3A_165 : memref<!tpu.dma_semaphore, #tpu.memory_space<semaphore_mem>>)
    %dma_start3A_166 = arith.constant 1 : i32
    %dma_start3A_167 = arith.constant 0 : i32
    %dma_start3A_168 = arith.constant 1 : i32
    %dma_start3A_169 = arith.constant 1 : i32
    %dma_start3A_170 = arith.constant 1 : i32
    %dma_start3A_171 = arith.constant 64 : i32
    %dma_start3A_172 = arith.constant 0 : i32
    %dma_start3A_173 = tpu.memref_slice %arg7[%dma_start3A_168, %dma_start3A_171, %dma_start3A_172] : memref<3x128x128xf32, #tpu.memory_space<vmem>> -> memref<1x64x128xf32, #tpu.memory_space<vmem>>
    %dma_start3A_174 = tpu.memref_squeeze %dma_start3A_173 : memref<1x64x128xf32, #tpu.memory_space<vmem>> -> memref<64x128xf32, #tpu.memory_space<vmem>>
    %dma_start3A_175 = arith.constant 64 : i32
    %dma_start3A_176 = tpu.memref_slice %arg6[%dma_start3A_166, %dma_start3A_167, %dma_start3A_175] : memref<3x2x128xi32, #tpu.memory_space<vmem>> -> memref<1x1x64xi32, #tpu.memory_space<vmem>>
    %dma_start3A_177 = tpu.memref_squeeze %dma_start3A_176 : memref<1x1x64xi32, #tpu.memory_space<vmem>> -> memref<64xi32, #tpu.memory_space<vmem>>
    %dma_start3A_178 = arith.constant 0 : i32
    %dma_start3A_179 = arith.constant 0 : i32
    %dma_start3A_180 = tpu.memref_slice %arg2[%dma_start3A_178, %dma_start3A_179] : memref<10000x128xf32, #tpu.memory_space<hbm>> -> memref<10000x128xf32, #tpu.memory_space<hbm>>
    %dma_start3A_181 = tpu.memref_slice %arg10[%dma_start3A_169, %dma_start3A_170] : memref<3x2x!tpu.dma_semaphore, #tpu.memory_space<semaphore_mem>> -> memref<1x1x!tpu.dma_semaphore, #tpu.memory_space<semaphore_mem>>
    %dma_start3A_182 = tpu.memref_squeeze %dma_start3A_181 : memref<1x1x!tpu.dma_semaphore, #tpu.memory_space<semaphore_mem>> -> memref<!tpu.dma_semaphore, #tpu.memory_space<semaphore_mem>>
    tpu.enqueue_indirect_dma source(%dma_start3A_180 : memref<10000x128xf32, #tpu.memory_space<hbm>>) target(%dma_start3A_174 : memref<64x128xf32, #tpu.memory_space<vmem>>) offsets(%dma_start3A_177 : memref<64xi32, #tpu.memory_space<vmem>>) semaphore(%dma_start3A_182 : memref<!tpu.dma_semaphore, #tpu.memory_space<semaphore_mem>>)
    %scan3A = arith.constant 0 : i32
    %scan3A_183 = arith.constant 0 : i32
    %scan3A_184 = arith.constant 80 : i32
    %scan3A_185 = arith.addi %scan3A_183, %scan3A_184 : i32
    %scan3A_186 = arith.constant 1 : i32
    scf.for %scan3A_193 = %scan3A_183 to %scan3A_185 step %scan3A_186  : i32 {
      %jit3A = arith.constant 3 : i32
      %eq3A = arith.constant 0 : i32
      %eq3A_194 = arith.cmpi eq, %jit3A, %eq3A : i32
      %jit3A_195 = arith.constant 1 : i32
      %select_n3A = arith.select %eq3A_194, %jit3A_195, %jit3A : i32
      %rem3A = arith.remsi %scan3A_193, %select_n3A : i32
      %ne3A = arith.constant 0 : i32
      %ne3A_196 = arith.cmpi ne, %rem3A, %ne3A : i32
      %lt3A = arith.constant 0 : i32
      %lt3A_197 = arith.cmpi slt, %rem3A, %lt3A : i32
      %lt3A_198 = arith.constant 0 : i32
      %lt3A_199 = arith.cmpi slt, %select_n3A, %lt3A_198 : i32
      %ne3A_200 = arith.xori %lt3A_197, %lt3A_199 : i1
      %and3A = arith.andi %ne3A_200, %ne3A_196 : i1
      %add3A_201 = arith.addi %rem3A, %select_n3A : i32
      %select_n3A_202 = arith.select %and3A, %add3A_201, %rem3A : i32
      %dma_wait3A_203 = arith.constant 0 : i32
      %dma_wait3A_204 = arith.constant 0 : i32
      %dma_wait3A_205 = arith.constant 0 : i32
      %dma_wait3A_206 = arith.constant 0 : i32
      %dma_wait3A_207 = tpu.memref_slice %arg7[%select_n3A_202, %dma_wait3A_205, %dma_wait3A_206] : memref<3x128x128xf32, #tpu.memory_space<vmem>> -> memref<1x64x128xf32, #tpu.memory_space<vmem>>
      %dma_wait3A_208 = tpu.memref_squeeze %dma_wait3A_207 : memref<1x64x128xf32, #tpu.memory_space<vmem>> -> memref<64x128xf32, #tpu.memory_space<vmem>>
      %dma_wait3A_209 = arith.constant 0 : i32
      %dma_wait3A_210 = tpu.memref_slice %arg6[%select_n3A_202, %dma_wait3A_203, %dma_wait3A_209] : memref<3x2x128xi32, #tpu.memory_space<vmem>> -> memref<1x1x64xi32, #tpu.memory_space<vmem>>
      %dma_wait3A_211 = tpu.memref_squeeze %dma_wait3A_210 : memref<1x1x64xi32, #tpu.memory_space<vmem>> -> memref<64xi32, #tpu.memory_space<vmem>>
      %dma_wait3A_212 = arith.constant 0 : i32
      %dma_wait3A_213 = arith.constant 0 : i32
      %dma_wait3A_214 = tpu.memref_slice %arg2[%dma_wait3A_212, %dma_wait3A_213] : memref<10000x128xf32, #tpu.memory_space<hbm>> -> memref<10000x128xf32, #tpu.memory_space<hbm>>
      %dma_wait3A_215 = tpu.memref_slice %arg10[%select_n3A_202, %dma_wait3A_204] : memref<3x2x!tpu.dma_semaphore, #tpu.memory_space<semaphore_mem>> -> memref<1x1x!tpu.dma_semaphore, #tpu.memory_space<semaphore_mem>>
      %dma_wait3A_216 = tpu.memref_squeeze %dma_wait3A_215 : memref<1x1x!tpu.dma_semaphore, #tpu.memory_space<semaphore_mem>> -> memref<!tpu.dma_semaphore, #tpu.memory_space<semaphore_mem>>
      tpu.wait_indirect_dma semaphore(%dma_wait3A_216 : memref<!tpu.dma_semaphore, #tpu.memory_space<semaphore_mem>>) src(%dma_wait3A_214 : memref<10000x128xf32, #tpu.memory_space<hbm>>) dst(%dma_wait3A_208 : memref<64x128xf32, #tpu.memory_space<vmem>>)
      %dma_wait3A_217 = arith.constant 0 : i32
      %dma_wait3A_218 = arith.constant 1 : i32
      %dma_wait3A_219 = arith.constant 64 : i32
      %dma_wait3A_220 = arith.constant 0 : i32
      %dma_wait3A_221 = tpu.memref_slice %arg7[%select_n3A_202, %dma_wait3A_219, %dma_wait3A_220] : memref<3x128x128xf32, #tpu.memory_space<vmem>> -> memref<1x64x128xf32, #tpu.memory_space<vmem>>
      %dma_wait3A_222 = tpu.memref_squeeze %dma_wait3A_221 : memref<1x64x128xf32, #tpu.memory_space<vmem>> -> memref<64x128xf32, #tpu.memory_space<vmem>>
      %dma_wait3A_223 = arith.constant 64 : i32
      %dma_wait3A_224 = tpu.memref_slice %arg6[%select_n3A_202, %dma_wait3A_217, %dma_wait3A_223] : memref<3x2x128xi32, #tpu.memory_space<vmem>> -> memref<1x1x64xi32, #tpu.memory_space<vmem>>
      %dma_wait3A_225 = tpu.memref_squeeze %dma_wait3A_224 : memref<1x1x64xi32, #tpu.memory_space<vmem>> -> memref<64xi32, #tpu.memory_space<vmem>>
      %dma_wait3A_226 = arith.constant 0 : i32
      %dma_wait3A_227 = arith.constant 0 : i32
      %dma_wait3A_228 = tpu.memref_slice %arg2[%dma_wait3A_226, %dma_wait3A_227] : memref<10000x128xf32, #tpu.memory_space<hbm>> -> memref<10000x128xf32, #tpu.memory_space<hbm>>
      %dma_wait3A_229 = tpu.memref_slice %arg10[%select_n3A_202, %dma_wait3A_218] : memref<3x2x!tpu.dma_semaphore, #tpu.memory_space<semaphore_mem>> -> memref<1x1x!tpu.dma_semaphore, #tpu.memory_space<semaphore_mem>>
      %dma_wait3A_230 = tpu.memref_squeeze %dma_wait3A_229 : memref<1x1x!tpu.dma_semaphore, #tpu.memory_space<semaphore_mem>> -> memref<!tpu.dma_semaphore, #tpu.memory_space<semaphore_mem>>
      tpu.wait_indirect_dma semaphore(%dma_wait3A_230 : memref<!tpu.dma_semaphore, #tpu.memory_space<semaphore_mem>>) src(%dma_wait3A_228 : memref<10000x128xf32, #tpu.memory_space<hbm>>) dst(%dma_wait3A_222 : memref<64x128xf32, #tpu.memory_space<vmem>>)
      %run_scoped3A = arith.constant 1 : i32
      "tpu.region"() ({
        %run_scoped3A_243 = tpu.sem_alloc : memref<!tpu.dma_semaphore, #tpu.memory_space<semaphore_mem>>
        %dma_start3A_244 = arith.constant 0 : i32
        %dma_start3A_245 = arith.constant 0 : i32
        %dma_start3A_246 = tpu.memref_slice %arg7[%select_n3A_202, %dma_start3A_244, %dma_start3A_245] : memref<3x128x128xf32, #tpu.memory_space<vmem>> -> memref<1x128x128xf32, #tpu.memory_space<vmem>>
        %dma_start3A_247 = tpu.memref_squeeze %dma_start3A_246 : memref<1x128x128xf32, #tpu.memory_space<vmem>> -> memref<128x128xf32, #tpu.memory_space<vmem>>
        %dma_start3A_248 = arith.constant 0 : i32
        %dma_start3A_249 = tpu.memref_slice %arg6[%select_n3A_202, %run_scoped3A, %dma_start3A_248] : memref<3x2x128xi32, #tpu.memory_space<vmem>> -> memref<1x1x128xi32, #tpu.memory_space<vmem>>
        %dma_start3A_250 = tpu.memref_squeeze %dma_start3A_249 : memref<1x1x128xi32, #tpu.memory_space<vmem>> -> memref<128xi32, #tpu.memory_space<vmem>>
        %dma_start3A_251 = arith.constant 0 : i32
        %dma_start3A_252 = arith.constant 0 : i32
        %dma_start3A_253 = tpu.memref_slice %arg8[%dma_start3A_251, %dma_start3A_252] : memref<10008x128xf32, #tpu.memory_space<vmem_shared>> -> memref<10008x128xf32, #tpu.memory_space<vmem_shared>>
        tpu.enqueue_indirect_dma source(%dma_start3A_247 : memref<128x128xf32, #tpu.memory_space<vmem>>) target(%dma_start3A_253 : memref<10008x128xf32, #tpu.memory_space<vmem_shared>>) offsets(%dma_start3A_250 : memref<128xi32, #tpu.memory_space<vmem>>) semaphore(%run_scoped3A_243 : memref<!tpu.dma_semaphore, #tpu.memory_space<semaphore_mem>>) {add = true}
        %dma_wait3A_254 = arith.constant 0 : i32
        %dma_wait3A_255 = arith.constant 0 : i32
        %dma_wait3A_256 = tpu.memref_slice %arg7[%select_n3A_202, %dma_wait3A_254, %dma_wait3A_255] : memref<3x128x128xf32, #tpu.memory_space<vmem>> -> memref<1x128x128xf32, #tpu.memory_space<vmem>>
        %dma_wait3A_257 = tpu.memref_squeeze %dma_wait3A_256 : memref<1x128x128xf32, #tpu.memory_space<vmem>> -> memref<128x128xf32, #tpu.memory_space<vmem>>
        %dma_wait3A_258 = arith.constant 0 : i32
        %dma_wait3A_259 = tpu.memref_slice %arg6[%select_n3A_202, %run_scoped3A, %dma_wait3A_258] : memref<3x2x128xi32, #tpu.memory_space<vmem>> -> memref<1x1x128xi32, #tpu.memory_space<vmem>>
        %dma_wait3A_260 = tpu.memref_squeeze %dma_wait3A_259 : memref<1x1x128xi32, #tpu.memory_space<vmem>> -> memref<128xi32, #tpu.memory_space<vmem>>
        %dma_wait3A_261 = arith.constant 0 : i32
        %dma_wait3A_262 = arith.constant 0 : i32
        %dma_wait3A_263 = tpu.memref_slice %arg8[%dma_wait3A_261, %dma_wait3A_262] : memref<10008x128xf32, #tpu.memory_space<vmem_shared>> -> memref<10008x128xf32, #tpu.memory_space<vmem_shared>>
        tpu.wait_indirect_dma semaphore(%run_scoped3A_243 : memref<!tpu.dma_semaphore, #tpu.memory_space<semaphore_mem>>) src(%dma_wait3A_257 : memref<128x128xf32, #tpu.memory_space<vmem>>) dst(%dma_wait3A_263 : memref<10008x128xf32, #tpu.memory_space<vmem_shared>>)
        tpu.yield
      }) : () -> ()
      %add3A_231 = arith.constant 2 : i32
      %add3A_232 = arith.addi %scan3A_193, %add3A_231 : i32
      %lt3A_233 = arith.constant 80 : i32
      %lt3A_234 = arith.cmpi slt, %add3A_232, %lt3A_233 : i32
      %convert_element_type3A = arith.extui %lt3A_234 : i1 to i32
      %cond3A = arith.constant 0 : i32
      %cond3A_235 = arith.cmpi ne, %convert_element_type3A, %cond3A : i32
      scf.if %cond3A_235 {
        %add3A_243 = arith.constant 2 : i32
        %add3A_244 = arith.addi %scan3A_193, %add3A_243 : i32
        %jit3A_245 = arith.constant 3 : i32
        %eq3A_246 = arith.constant 0 : i32
        %eq3A_247 = arith.cmpi eq, %jit3A_245, %eq3A_246 : i32
        %jit3A_248 = arith.constant 1 : i32
        %select_n3A_249 = arith.select %eq3A_247, %jit3A_248, %jit3A_245 : i32
        %rem3A_250 = arith.remsi %add3A_244, %select_n3A_249 : i32
        %ne3A_251 = arith.constant 0 : i32
        %ne3A_252 = arith.cmpi ne, %rem3A_250, %ne3A_251 : i32
        %lt3A_253 = arith.constant 0 : i32
        %lt3A_254 = arith.cmpi slt, %rem3A_250, %lt3A_253 : i32
        %lt3A_255 = arith.constant 0 : i32
        %lt3A_256 = arith.cmpi slt, %select_n3A_249, %lt3A_255 : i32
        %ne3A_257 = arith.xori %lt3A_254, %lt3A_256 : i1
        %and3A_258 = arith.andi %ne3A_257, %ne3A_252 : i1
        %add3A_259 = arith.addi %rem3A_250, %select_n3A_249 : i32
        %select_n3A_260 = arith.select %and3A_258, %add3A_259, %rem3A_250 : i32
        %add3A_261 = arith.constant 2 : i32
        %add3A_262 = arith.addi %scan3A_193, %add3A_261 : i32
        %add3A_263 = arith.addi %mul3A_2, %add3A_262 : i32
        %dma_wait3A_264 = arith.constant 0 : i32
        %dma_wait3A_265 = arith.constant 0 : i32
        %dma_wait3A_266 = tpu.memref_slice %arg6[%select_n3A_260, %dma_wait3A_264, %dma_wait3A_265] : memref<3x2x128xi32, #tpu.memory_space<vmem>> -> memref<1x2x128xi32, #tpu.memory_space<vmem>>
        %dma_wait3A_267 = tpu.memref_squeeze %dma_wait3A_266 : memref<1x2x128xi32, #tpu.memory_space<vmem>> -> memref<2x128xi32, #tpu.memory_space<vmem>>
        %dma_wait3A_268 = arith.constant 0 : i32
        %dma_wait3A_269 = arith.constant 0 : i32
        %dma_wait3A_270 = tpu.memref_slice %arg3[%add3A_263, %dma_wait3A_268, %dma_wait3A_269] : memref<2560x2x128xi32, #tpu.memory_space<hbm>> -> memref<1x2x128xi32, #tpu.memory_space<hbm>>
        %dma_wait3A_271 = tpu.memref_squeeze %dma_wait3A_270 : memref<1x2x128xi32, #tpu.memory_space<hbm>> -> memref<2x128xi32, #tpu.memory_space<hbm>>
        %dma_wait3A_272 = tpu.memref_slice %arg9[%select_n3A_260] : memref<3x!tpu.dma_semaphore, #tpu.memory_space<semaphore_mem>> -> memref<1x!tpu.dma_semaphore, #tpu.memory_space<semaphore_mem>>
        %dma_wait3A_273 = tpu.memref_squeeze %dma_wait3A_272 : memref<1x!tpu.dma_semaphore, #tpu.memory_space<semaphore_mem>> -> memref<!tpu.dma_semaphore, #tpu.memory_space<semaphore_mem>>
        %dma_wait3A_274 = arith.constant 0 : i32
        %dma_wait3A_275 = arith.constant 0 : i32
        %dma_wait3A_276 = tpu.memref_slice %arg6[%select_n3A_260, %dma_wait3A_274, %dma_wait3A_275] : memref<3x2x128xi32, #tpu.memory_space<vmem>> -> memref<1x2x128xi32, #tpu.memory_space<vmem>>
        %dma_wait3A_277 = tpu.memref_squeeze %dma_wait3A_276 : memref<1x2x128xi32, #tpu.memory_space<vmem>> -> memref<2x128xi32, #tpu.memory_space<vmem>>
        %dma_wait3A_278 = arith.constant 0 : i32
        %dma_wait3A_279 = arith.constant 0 : i32
        %dma_wait3A_280 = tpu.memref_slice %arg3[%add3A_263, %dma_wait3A_278, %dma_wait3A_279] : memref<2560x2x128xi32, #tpu.memory_space<hbm>> -> memref<1x2x128xi32, #tpu.memory_space<hbm>>
        %dma_wait3A_281 = tpu.memref_squeeze %dma_wait3A_280 : memref<1x2x128xi32, #tpu.memory_space<hbm>> -> memref<2x128xi32, #tpu.memory_space<hbm>>
        tpu.wait_dma2 semaphore(%dma_wait3A_273 : memref<!tpu.dma_semaphore, #tpu.memory_space<semaphore_mem>>) src(%dma_wait3A_281 : memref<2x128xi32, #tpu.memory_space<hbm>>) dst(%dma_wait3A_277 : memref<2x128xi32, #tpu.memory_space<vmem>>)
        %dma_start3A_282 = arith.constant 0 : i32
        %dma_start3A_283 = arith.constant 0 : i32
        %dma_start3A_284 = arith.constant 0 : i32
        %dma_start3A_285 = arith.constant 0 : i32
        %dma_start3A_286 = tpu.memref_slice %arg7[%select_n3A_260, %dma_start3A_284, %dma_start3A_285] : memref<3x128x128xf32, #tpu.memory_space<vmem>> -> memref<1x64x128xf32, #tpu.memory_space<vmem>>
        %dma_start3A_287 = tpu.memref_squeeze %dma_start3A_286 : memref<1x64x128xf32, #tpu.memory_space<vmem>> -> memref<64x128xf32, #tpu.memory_space<vmem>>
        %dma_start3A_288 = arith.constant 0 : i32
        %dma_start3A_289 = tpu.memref_slice %arg6[%select_n3A_260, %dma_start3A_282, %dma_start3A_288] : memref<3x2x128xi32, #tpu.memory_space<vmem>> -> memref<1x1x64xi32, #tpu.memory_space<vmem>>
        %dma_start3A_290 = tpu.memref_squeeze %dma_start3A_289 : memref<1x1x64xi32, #tpu.memory_space<vmem>> -> memref<64xi32, #tpu.memory_space<vmem>>
        %dma_start3A_291 = arith.constant 0 : i32
        %dma_start3A_292 = arith.constant 0 : i32
        %dma_start3A_293 = tpu.memref_slice %arg2[%dma_start3A_291, %dma_start3A_292] : memref<10000x128xf32, #tpu.memory_space<hbm>> -> memref<10000x128xf32, #tpu.memory_space<hbm>>
        %dma_start3A_294 = tpu.memref_slice %arg10[%select_n3A_260, %dma_start3A_283] : memref<3x2x!tpu.dma_semaphore, #tpu.memory_space<semaphore_mem>> -> memref<1x1x!tpu.dma_semaphore, #tpu.memory_space<semaphore_mem>>
        %dma_start3A_295 = tpu.memref_squeeze %dma_start3A_294 : memref<1x1x!tpu.dma_semaphore, #tpu.memory_space<semaphore_mem>> -> memref<!tpu.dma_semaphore, #tpu.memory_space<semaphore_mem>>
        tpu.enqueue_indirect_dma source(%dma_start3A_293 : memref<10000x128xf32, #tpu.memory_space<hbm>>) target(%dma_start3A_287 : memref<64x128xf32, #tpu.memory_space<vmem>>) offsets(%dma_start3A_290 : memref<64xi32, #tpu.memory_space<vmem>>) semaphore(%dma_start3A_295 : memref<!tpu.dma_semaphore, #tpu.memory_space<semaphore_mem>>)
        %dma_start3A_296 = arith.constant 0 : i32
        %dma_start3A_297 = arith.constant 1 : i32
        %dma_start3A_298 = arith.constant 64 : i32
        %dma_start3A_299 = arith.constant 0 : i32
        %dma_start3A_300 = tpu.memref_slice %arg7[%select_n3A_260, %dma_start3A_298, %dma_start3A_299] : memref<3x128x128xf32, #tpu.memory_space<vmem>> -> memref<1x64x128xf32, #tpu.memory_space<vmem>>
        %dma_start3A_301 = tpu.memref_squeeze %dma_start3A_300 : memref<1x64x128xf32, #tpu.memory_space<vmem>> -> memref<64x128xf32, #tpu.memory_space<vmem>>
        %dma_start3A_302 = arith.constant 64 : i32
        %dma_start3A_303 = tpu.memref_slice %arg6[%select_n3A_260, %dma_start3A_296, %dma_start3A_302] : memref<3x2x128xi32, #tpu.memory_space<vmem>> -> memref<1x1x64xi32, #tpu.memory_space<vmem>>
        %dma_start3A_304 = tpu.memref_squeeze %dma_start3A_303 : memref<1x1x64xi32, #tpu.memory_space<vmem>> -> memref<64xi32, #tpu.memory_space<vmem>>
        %dma_start3A_305 = arith.constant 0 : i32
        %dma_start3A_306 = arith.constant 0 : i32
        %dma_start3A_307 = tpu.memref_slice %arg2[%dma_start3A_305, %dma_start3A_306] : memref<10000x128xf32, #tpu.memory_space<hbm>> -> memref<10000x128xf32, #tpu.memory_space<hbm>>
        %dma_start3A_308 = tpu.memref_slice %arg10[%select_n3A_260, %dma_start3A_297] : memref<3x2x!tpu.dma_semaphore, #tpu.memory_space<semaphore_mem>> -> memref<1x1x!tpu.dma_semaphore, #tpu.memory_space<semaphore_mem>>
        %dma_start3A_309 = tpu.memref_squeeze %dma_start3A_308 : memref<1x1x!tpu.dma_semaphore, #tpu.memory_space<semaphore_mem>> -> memref<!tpu.dma_semaphore, #tpu.memory_space<semaphore_mem>>
        tpu.enqueue_indirect_dma source(%dma_start3A_307 : memref<10000x128xf32, #tpu.memory_space<hbm>>) target(%dma_start3A_301 : memref<64x128xf32, #tpu.memory_space<vmem>>) offsets(%dma_start3A_304 : memref<64xi32, #tpu.memory_space<vmem>>) semaphore(%dma_start3A_309 : memref<!tpu.dma_semaphore, #tpu.memory_space<semaphore_mem>>)
      } else {
      }
      %add3A_236 = arith.constant 3 : i32
      %add3A_237 = arith.addi %scan3A_193, %add3A_236 : i32
      %lt3A_238 = arith.constant 80 : i32
      %lt3A_239 = arith.cmpi slt, %add3A_237, %lt3A_238 : i32
      %convert_element_type3A_240 = arith.extui %lt3A_239 : i1 to i32
      %cond3A_241 = arith.constant 0 : i32
      %cond3A_242 = arith.cmpi ne, %convert_element_type3A_240, %cond3A_241 : i32
      scf.if %cond3A_242 {
        %add3A_243 = arith.constant 3 : i32
        %add3A_244 = arith.addi %scan3A_193, %add3A_243 : i32
        %add3A_245 = arith.addi %mul3A_2, %add3A_244 : i32
        %dma_start3A_246 = arith.constant 0 : i32
        %dma_start3A_247 = arith.constant 0 : i32
        %dma_start3A_248 = tpu.memref_slice %arg6[%select_n3A_202, %dma_start3A_246, %dma_start3A_247] : memref<3x2x128xi32, #tpu.memory_space<vmem>> -> memref<1x2x128xi32, #tpu.memory_space<vmem>>
        %dma_start3A_249 = tpu.memref_squeeze %dma_start3A_248 : memref<1x2x128xi32, #tpu.memory_space<vmem>> -> memref<2x128xi32, #tpu.memory_space<vmem>>
        %dma_start3A_250 = arith.constant 0 : i32
        %dma_start3A_251 = arith.constant 0 : i32
        %dma_start3A_252 = tpu.memref_slice %arg3[%add3A_245, %dma_start3A_250, %dma_start3A_251] : memref<2560x2x128xi32, #tpu.memory_space<hbm>> -> memref<1x2x128xi32, #tpu.memory_space<hbm>>
        %dma_start3A_253 = tpu.memref_squeeze %dma_start3A_252 : memref<1x2x128xi32, #tpu.memory_space<hbm>> -> memref<2x128xi32, #tpu.memory_space<hbm>>
        %dma_start3A_254 = tpu.memref_slice %arg9[%select_n3A_202] : memref<3x!tpu.dma_semaphore, #tpu.memory_space<semaphore_mem>> -> memref<1x!tpu.dma_semaphore, #tpu.memory_space<semaphore_mem>>
        %dma_start3A_255 = tpu.memref_squeeze %dma_start3A_254 : memref<1x!tpu.dma_semaphore, #tpu.memory_space<semaphore_mem>> -> memref<!tpu.dma_semaphore, #tpu.memory_space<semaphore_mem>>
        %dma_start3A_256 = arith.constant 0 : i32
        %dma_start3A_257 = arith.constant 0 : i32
        %dma_start3A_258 = tpu.memref_slice %arg6[%select_n3A_202, %dma_start3A_256, %dma_start3A_257] : memref<3x2x128xi32, #tpu.memory_space<vmem>> -> memref<1x2x128xi32, #tpu.memory_space<vmem>>
        %dma_start3A_259 = tpu.memref_squeeze %dma_start3A_258 : memref<1x2x128xi32, #tpu.memory_space<vmem>> -> memref<2x128xi32, #tpu.memory_space<vmem>>
        %dma_start3A_260 = arith.constant 0 : i32
        %dma_start3A_261 = arith.constant 0 : i32
        %dma_start3A_262 = tpu.memref_slice %arg3[%add3A_245, %dma_start3A_260, %dma_start3A_261] : memref<2560x2x128xi32, #tpu.memory_space<hbm>> -> memref<1x2x128xi32, #tpu.memory_space<hbm>>
        %dma_start3A_263 = tpu.memref_squeeze %dma_start3A_262 : memref<1x2x128xi32, #tpu.memory_space<hbm>> -> memref<2x128xi32, #tpu.memory_space<hbm>>
        tpu.enqueue_dma source(%dma_start3A_263 : memref<2x128xi32, #tpu.memory_space<hbm>>) target(%dma_start3A_259 : memref<2x128xi32, #tpu.memory_space<vmem>>) target_semaphore(%dma_start3A_255 : memref<!tpu.dma_semaphore, #tpu.memory_space<semaphore_mem>>)
      } else {
      }
    }
    %scan3A_187 = arith.constant 80 : i32
    %barrier3A_188 = arith.constant 0 : index
    tpu.barrier barrier_id(%barrier3A_188)
    %mul3A_189 = arith.constant 624 : i32
    %mul3A_190 = arith.muli %arg1, %mul3A_189 : i32
    %mul3A_191 = arith.constant 624 : i32
    %mul3A_192 = arith.muli %arg1, %mul3A_191 : i32
    "tpu.region"() ({
      %run_scoped3A = tpu.sem_alloc : memref<!tpu.dma_semaphore, #tpu.memory_space<semaphore_mem>>
      %dma_start3A_193 = arith.constant 0 : i32
      %dma_start3A_194 = tpu.memref_slice %arg5[%arg0, %mul3A_192, %dma_start3A_193] : memref<2x10000x128xf32, #tpu.memory_space<hbm>> -> memref<1x640x128xf32, #tpu.memory_space<hbm>>
      %dma_start3A_195 = tpu.memref_squeeze %dma_start3A_194 : memref<1x640x128xf32, #tpu.memory_space<hbm>> -> memref<640x128xf32, #tpu.memory_space<hbm>>
      %dma_start3A_196 = arith.constant 0 : i32
      %dma_start3A_197 = tpu.memref_slice %arg8[%mul3A_190, %dma_start3A_196] : memref<10008x128xf32, #tpu.memory_space<vmem_shared>> -> memref<640x128xf32, #tpu.memory_space<vmem_shared>>
      tpu.enqueue_dma source(%dma_start3A_197 : memref<640x128xf32, #tpu.memory_space<vmem_shared>>) target(%dma_start3A_195 : memref<640x128xf32, #tpu.memory_space<hbm>>) target_semaphore(%run_scoped3A : memref<!tpu.dma_semaphore, #tpu.memory_space<semaphore_mem>>)
      %dma_wait3A_198 = arith.constant 0 : i32
      %dma_wait3A_199 = tpu.memref_slice %arg5[%arg0, %mul3A_192, %dma_wait3A_198] : memref<2x10000x128xf32, #tpu.memory_space<hbm>> -> memref<1x640x128xf32, #tpu.memory_space<hbm>>
      %dma_wait3A_200 = tpu.memref_squeeze %dma_wait3A_199 : memref<1x640x128xf32, #tpu.memory_space<hbm>> -> memref<640x128xf32, #tpu.memory_space<hbm>>
      %dma_wait3A_201 = arith.constant 0 : i32
      %dma_wait3A_202 = tpu.memref_slice %arg8[%mul3A_190, %dma_wait3A_201] : memref<10008x128xf32, #tpu.memory_space<vmem_shared>> -> memref<640x128xf32, #tpu.memory_space<vmem_shared>>
      tpu.wait_dma2 semaphore(%run_scoped3A : memref<!tpu.dma_semaphore, #tpu.memory_space<semaphore_mem>>) src(%dma_wait3A_202 : memref<640x128xf32, #tpu.memory_space<vmem_shared>>) dst(%dma_wait3A_200 : memref<640x128xf32, #tpu.memory_space<hbm>>)
      tpu.yield
    }) : () -> ()
    return
  }
}

module attributes {stable_mosaic.version = 14 : i64} {
  func.func @_conv_body(%arg0: i32, %arg1: memref<2x1000x128xf32, #tpu.memory_space<vmem>>, %arg2: memref<1000x128xf32, #tpu.memory_space<vmem>>, %arg3: memref<128x128xf32, #tpu.memory_space<vmem>>, %arg4: memref<128x128xf32, #tpu.memory_space<vmem>>, %arg5: memref<1x128xf32, #tpu.memory_space<vmem>>, %arg6: memref<1000x128xf32, #tpu.memory_space<vmem>>) attributes {dimension_semantics = [#tpu.dimension_semantics<arbitrary>], iteration_bounds = array<i64: 10>, scalar_prefetch = 0 : i64, scratch_operands = 0 : i64, tpu.core_type = #tpu.core_type<tc>, window_params = [{transform_indices = @transform_0, window_bounds = array<i64: 2, 1000, 128>}, {transform_indices = @transform_1, window_bounds = array<i64: 1000, 128>}, {pipeline_mode = #tpu.pipeline_mode<synchronous>, transform_indices = @transform_2, window_bounds = array<i64: 128, 128>}, {pipeline_mode = #tpu.pipeline_mode<synchronous>, transform_indices = @transform_3, window_bounds = array<i64: 128, 128>}, {pipeline_mode = #tpu.pipeline_mode<synchronous>, transform_indices = @transform_4, window_bounds = array<i64: 1, 128>}, {transform_indices = @transform_5, window_bounds = array<i64: 1000, 128>}]} {
    %get3A = arith.constant 0 : index
    %get3A_0 = arith.constant 0 : index
    %get3A_1 = arith.constant 0 : index
    %get3A_2 = vector.load %arg1[%get3A, %get3A_0, %get3A_1] : memref<2x1000x128xf32, #tpu.memory_space<vmem>>, vector<1x1000x128xf32>
    %get3A_3 = vector.shape_cast %get3A_2 : vector<1x1000x128xf32> to vector<1000x128xf32>
    %get3A_4 = arith.constant 1 : index
    %get3A_5 = arith.constant 0 : index
    %get3A_6 = arith.constant 0 : index
    %get3A_7 = vector.load %arg1[%get3A_4, %get3A_5, %get3A_6] : memref<2x1000x128xf32, #tpu.memory_space<vmem>>, vector<1x1000x128xf32>
    %get3A_8 = vector.shape_cast %get3A_7 : vector<1x1000x128xf32> to vector<1000x128xf32>
    %add3A = arith.addf %get3A_3, %get3A_8 : vector<1000x128xf32>
    %get3A_9 = arith.constant 0 : index
    %get3A_10 = arith.constant 0 : index
    %get3A_11 = vector.load %arg3[%get3A_9, %get3A_10] : memref<128x128xf32, #tpu.memory_space<vmem>>, vector<128x128xf32>
    %convert_element_type3A = arith.truncf %add3A : vector<1000x128xf32> to vector<1000x128xbf16>
    %convert_element_type3A_12 = arith.truncf %get3A_11 : vector<128x128xf32> to vector<128x128xbf16>
    %dot_general3A = arith.constant dense<0.000000e+00> : vector<1000x128xf32>
    %dot_general3A_13 = tpu.matmul %convert_element_type3A, %convert_element_type3A_12, %dot_general3A {dimension_numbers = #tpu.dot_dimension_numbers<[1], [1], [0], [0], [0, 0, 1, 0], [], []>, transpose_lhs_hint = false} : vector<1000x128xbf16>, vector<128x128xbf16>, vector<1000x128xf32> -> vector<1000x128xf32>
    %get3A_14 = arith.constant 0 : index
    %get3A_15 = arith.constant 0 : index
    %get3A_16 = vector.load %arg2[%get3A_14, %get3A_15] : memref<1000x128xf32, #tpu.memory_space<vmem>>, vector<1000x128xf32>
    %get3A_17 = arith.constant 0 : index
    %get3A_18 = arith.constant 0 : index
    %get3A_19 = vector.load %arg4[%get3A_17, %get3A_18] : memref<128x128xf32, #tpu.memory_space<vmem>>, vector<128x128xf32>
    %convert_element_type3A_20 = arith.truncf %get3A_16 : vector<1000x128xf32> to vector<1000x128xbf16>
    %convert_element_type3A_21 = arith.truncf %get3A_19 : vector<128x128xf32> to vector<128x128xbf16>
    %dot_general3A_22 = arith.constant dense<0.000000e+00> : vector<1000x128xf32>
    %dot_general3A_23 = tpu.matmul %convert_element_type3A_20, %convert_element_type3A_21, %dot_general3A_22 {dimension_numbers = #tpu.dot_dimension_numbers<[1], [1], [0], [0], [0, 0, 1, 0], [], []>, transpose_lhs_hint = false} : vector<1000x128xbf16>, vector<128x128xbf16>, vector<1000x128xf32> -> vector<1000x128xf32>
    %add3A_24 = arith.addf %dot_general3A_13, %dot_general3A_23 : vector<1000x128xf32>
    %get3A_25 = arith.constant 0 : index
    %get3A_26 = arith.constant 0 : index
    %get3A_27 = vector.load %arg5[%get3A_25, %get3A_26] : memref<1x128xf32, #tpu.memory_space<vmem>>, vector<1x128xf32>
    %add3A_28 = vector.broadcast %get3A_27 : vector<1x128xf32> to vector<1000x128xf32>
    %add3A_29 = arith.addf %add3A_24, %add3A_28 : vector<1000x128xf32>
    %max3A = arith.constant 0.000000e+00 : f32
    %max3A_30 = vector.broadcast %max3A : f32 to vector<1000x128xf32>
    %max3A_31 = arith.maximumf %add3A_29, %max3A_30 : vector<1000x128xf32>
    %swap3A = arith.constant 0 : index
    %swap3A_32 = arith.constant 0 : index
    %swap3A_33 = vector.load %arg6[%swap3A, %swap3A_32] : memref<1000x128xf32, #tpu.memory_space<vmem>>, vector<1000x128xf32>
    tpu.vector_store %arg6[%swap3A, %swap3A_32], %max3A_31 {strides = array<i32>} : memref<1000x128xf32, #tpu.memory_space<vmem>>, vector<1000x128xf32>,
    return
  }
  func.func @transform_0(%arg0: i32) -> (i32, i32, i32) {
    %c0_i32 = arith.constant 0 : i32
    %c0_i32_0 = arith.constant 0 : i32
    %c0_i32_1 = arith.constant 0 : i32
    return %c0_i32, %arg0, %c0_i32_0 : i32, i32, i32
  }
  func.func @transform_1(%arg0: i32) -> (i32, i32) {
    %c0_i32 = arith.constant 0 : i32
    %c0_i32_0 = arith.constant 0 : i32
    return %arg0, %c0_i32 : i32, i32
  }
  func.func @transform_2(%arg0: i32) -> (i32, i32) {
    %c0_i32 = arith.constant 0 : i32
    %c0_i32_0 = arith.constant 0 : i32
    %c0_i32_1 = arith.constant 0 : i32
    return %c0_i32, %c0_i32_0 : i32, i32
  }
  func.func @transform_3(%arg0: i32) -> (i32, i32) {
    %c0_i32 = arith.constant 0 : i32
    %c0_i32_0 = arith.constant 0 : i32
    %c0_i32_1 = arith.constant 0 : i32
    return %c0_i32, %c0_i32_0 : i32, i32
  }
  func.func @transform_4(%arg0: i32) -> (i32, i32) {
    %c0_i32 = arith.constant 0 : i32
    %c0_i32_0 = arith.constant 0 : i32
    %c0_i32_1 = arith.constant 0 : i32
    return %c0_i32, %c0_i32_0 : i32, i32
  }
  func.func @transform_5(%arg0: i32) -> (i32, i32) {
    %c0_i32 = arith.constant 0 : i32
    %c0_i32_0 = arith.constant 0 : i32
    return %arg0, %c0_i32 : i32, i32
  }
}

module attributes {stable_mosaic.version = 14 : i64} {
  func.func @_final_body(%arg0: i32, %arg1: memref<2x1000x128xf32, #tpu.memory_space<vmem>>, %arg2: memref<1000x128xf32, #tpu.memory_space<vmem>>, %arg3: memref<1x1x1000xi32, #tpu.memory_space<vmem>>, %arg4: memref<128x128xf32, #tpu.memory_space<vmem>>, %arg5: memref<128x128xf32, #tpu.memory_space<vmem>>, %arg6: memref<1x128xf32, #tpu.memory_space<vmem>>, %arg7: memref<128x128xf32, #tpu.memory_space<vmem>>, %arg8: memref<1x128xf32, #tpu.memory_space<vmem>>, %arg9: memref<1x128xf32, #tpu.memory_space<vmem>>, %arg10: memref<1x128xf32, #tpu.memory_space<vmem>>, %arg11: memref<16x128xf32, #tpu.memory_space<vmem>>, %arg12: memref<16x128xf32, #tpu.memory_space<vmem>>, %arg13: memref<16x128xf32, #tpu.memory_space<vmem>>) attributes {dimension_semantics = [#tpu.dimension_semantics<arbitrary>], iteration_bounds = array<i64: 10>, scalar_prefetch = 0 : i64, scratch_operands = 2 : i64, tpu.core_type = #tpu.core_type<tc>, window_params = [{transform_indices = @transform_0, window_bounds = array<i64: 2, 1000, 128>}, {transform_indices = @transform_1, window_bounds = array<i64: 1000, 128>}, {transform_indices = @transform_2, window_bounds = array<i64: 1, 1, 1000>}, {pipeline_mode = #tpu.pipeline_mode<synchronous>, transform_indices = @transform_3, window_bounds = array<i64: 128, 128>}, {pipeline_mode = #tpu.pipeline_mode<synchronous>, transform_indices = @transform_4, window_bounds = array<i64: 128, 128>}, {pipeline_mode = #tpu.pipeline_mode<synchronous>, transform_indices = @transform_5, window_bounds = array<i64: 1, 128>}, {pipeline_mode = #tpu.pipeline_mode<synchronous>, transform_indices = @transform_6, window_bounds = array<i64: 128, 128>}, {pipeline_mode = #tpu.pipeline_mode<synchronous>, transform_indices = @transform_7, window_bounds = array<i64: 1, 128>}, {pipeline_mode = #tpu.pipeline_mode<synchronous>, transform_indices = @transform_8, window_bounds = array<i64: 1, 128>}, {pipeline_mode = #tpu.pipeline_mode<synchronous>, transform_indices = @transform_9, window_bounds = array<i64: 1, 128>}, {pipeline_mode = #tpu.pipeline_mode<synchronous>, transform_indices = @transform_10, window_bounds = array<i64: 16, 128>}]} {
    %eq3A = arith.constant 0 : i32
    %eq3A_0 = arith.cmpi eq, %arg0, %eq3A : i32
    %convert_element_type3A = arith.extui %eq3A_0 : i1 to i32
    %cond3A = arith.constant 0 : i32
    %cond3A_1 = arith.cmpi ne, %convert_element_type3A, %cond3A : i32
    scf.if %cond3A_1 {
      %broadcast_in_dim3A_68 = arith.constant 0.000000e+00 : f32
      %broadcast_in_dim3A_69 = vector.broadcast %broadcast_in_dim3A_68 : f32 to vector<16x128xf32>
      %swap3A_70 = arith.constant 0 : index
      %swap3A_71 = arith.constant 0 : index
      %swap3A_72 = vector.load %arg12[%swap3A_70, %swap3A_71] : memref<16x128xf32, #tpu.memory_space<vmem>>, vector<16x128xf32>
      tpu.vector_store %arg12[%swap3A_70, %swap3A_71], %broadcast_in_dim3A_69 {strides = array<i32>} : memref<16x128xf32, #tpu.memory_space<vmem>>, vector<16x128xf32>,
      %broadcast_in_dim3A_73 = arith.constant 0.000000e+00 : f32
      %broadcast_in_dim3A_74 = vector.broadcast %broadcast_in_dim3A_73 : f32 to vector<16x128xf32>
      %swap3A_75 = arith.constant 0 : index
      %swap3A_76 = arith.constant 0 : index
      %swap3A_77 = vector.load %arg13[%swap3A_75, %swap3A_76] : memref<16x128xf32, #tpu.memory_space<vmem>>, vector<16x128xf32>
      tpu.vector_store %arg13[%swap3A_75, %swap3A_76], %broadcast_in_dim3A_74 {strides = array<i32>} : memref<16x128xf32, #tpu.memory_space<vmem>>, vector<16x128xf32>,
    } else {
    }
    %get3A = arith.constant 0 : index
    %get3A_2 = arith.constant 0 : index
    %get3A_3 = arith.constant 0 : index
    %get3A_4 = vector.load %arg1[%get3A, %get3A_2, %get3A_3] : memref<2x1000x128xf32, #tpu.memory_space<vmem>>, vector<1x1000x128xf32>
    %get3A_5 = vector.shape_cast %get3A_4 : vector<1x1000x128xf32> to vector<1000x128xf32>
    %get3A_6 = arith.constant 1 : index
    %get3A_7 = arith.constant 0 : index
    %get3A_8 = arith.constant 0 : index
    %get3A_9 = vector.load %arg1[%get3A_6, %get3A_7, %get3A_8] : memref<2x1000x128xf32, #tpu.memory_space<vmem>>, vector<1x1000x128xf32>
    %get3A_10 = vector.shape_cast %get3A_9 : vector<1x1000x128xf32> to vector<1000x128xf32>
    %add3A = arith.addf %get3A_5, %get3A_10 : vector<1000x128xf32>
    %get3A_11 = arith.constant 0 : index
    %get3A_12 = arith.constant 0 : index
    %get3A_13 = vector.load %arg4[%get3A_11, %get3A_12] : memref<128x128xf32, #tpu.memory_space<vmem>>, vector<128x128xf32>
    %convert_element_type3A_14 = arith.truncf %add3A : vector<1000x128xf32> to vector<1000x128xbf16>
    %convert_element_type3A_15 = arith.truncf %get3A_13 : vector<128x128xf32> to vector<128x128xbf16>
    %dot_general3A = arith.constant dense<0.000000e+00> : vector<1000x128xf32>
    %dot_general3A_16 = tpu.matmul %convert_element_type3A_14, %convert_element_type3A_15, %dot_general3A {dimension_numbers = #tpu.dot_dimension_numbers<[1], [1], [0], [0], [0, 0, 1, 0], [], []>, transpose_lhs_hint = false} : vector<1000x128xbf16>, vector<128x128xbf16>, vector<1000x128xf32> -> vector<1000x128xf32>
    %get3A_17 = arith.constant 0 : index
    %get3A_18 = arith.constant 0 : index
    %get3A_19 = vector.load %arg2[%get3A_17, %get3A_18] : memref<1000x128xf32, #tpu.memory_space<vmem>>, vector<1000x128xf32>
    %get3A_20 = arith.constant 0 : index
    %get3A_21 = arith.constant 0 : index
    %get3A_22 = vector.load %arg5[%get3A_20, %get3A_21] : memref<128x128xf32, #tpu.memory_space<vmem>>, vector<128x128xf32>
    %convert_element_type3A_23 = arith.truncf %get3A_19 : vector<1000x128xf32> to vector<1000x128xbf16>
    %convert_element_type3A_24 = arith.truncf %get3A_22 : vector<128x128xf32> to vector<128x128xbf16>
    %dot_general3A_25 = arith.constant dense<0.000000e+00> : vector<1000x128xf32>
    %dot_general3A_26 = tpu.matmul %convert_element_type3A_23, %convert_element_type3A_24, %dot_general3A_25 {dimension_numbers = #tpu.dot_dimension_numbers<[1], [1], [0], [0], [0, 0, 1, 0], [], []>, transpose_lhs_hint = false} : vector<1000x128xbf16>, vector<128x128xbf16>, vector<1000x128xf32> -> vector<1000x128xf32>
    %add3A_27 = arith.addf %dot_general3A_16, %dot_general3A_26 : vector<1000x128xf32>
    %get3A_28 = arith.constant 0 : index
    %get3A_29 = arith.constant 0 : index
    %get3A_30 = vector.load %arg6[%get3A_28, %get3A_29] : memref<1x128xf32, #tpu.memory_space<vmem>>, vector<1x128xf32>
    %add3A_31 = vector.broadcast %get3A_30 : vector<1x128xf32> to vector<1000x128xf32>
    %add3A_32 = arith.addf %add3A_27, %add3A_31 : vector<1000x128xf32>
    %max3A = arith.constant 0.000000e+00 : f32
    %max3A_33 = vector.broadcast %max3A : f32 to vector<1000x128xf32>
    %max3A_34 = arith.maximumf %add3A_32, %max3A_33 : vector<1000x128xf32>
    %get3A_35 = arith.constant 0 : index
    %get3A_36 = arith.constant 0 : index
    %get3A_37 = arith.constant 0 : index
    %get3A_38 = vector.load %arg3[%get3A_35, %get3A_36, %get3A_37] : memref<1x1x1000xi32, #tpu.memory_space<vmem>>, vector<1x1x1000xi32>
    %get3A_39 = vector.shape_cast %get3A_38 : vector<1x1x1000xi32> to vector<1000xi32>
    %broadcast_in_dim3A = vector.shape_cast %get3A_39 : vector<1000xi32> to vector<1x1000xi32>
    %iota3A = tpu.iota {dimensions = array<i32: 0>} : vector<16x1000xi32>
    %eq3A_40 = vector.broadcast %broadcast_in_dim3A : vector<1x1000xi32> to vector<16x1000xi32>
    %eq3A_41 = arith.cmpi eq, %eq3A_40, %iota3A : vector<16x1000xi32>
    %convert_element_type3A_42 = arith.extui %eq3A_41 : vector<16x1000xi1> to vector<16x1000xi32>
    %convert_element_type3A_43 = arith.sitofp %convert_element_type3A_42 : vector<16x1000xi32> to vector<16x1000xf32>
    %get3A_44 = arith.constant 0 : index
    %get3A_45 = arith.constant 0 : index
    %get3A_46 = vector.load %arg12[%get3A_44, %get3A_45] : memref<16x128xf32, #tpu.memory_space<vmem>>, vector<16x128xf32>
    %dot_general3A_47 = arith.constant dense<0.000000e+00> : vector<16x128xf32>
    %dot_general3A_48 = tpu.matmul %convert_element_type3A_43, %max3A_34, %dot_general3A_47 {dimension_numbers = #tpu.dot_dimension_numbers<[1], [0], [0], [1], [0, 0, 1, 1], [], []>, precision = #tpu.contract_precision<fp32>, transpose_lhs_hint = false} : vector<16x1000xf32>, vector<1000x128xf32>, vector<16x128xf32> -> vector<16x128xf32>
    %add3A_49 = arith.addf %get3A_46, %dot_general3A_48 : vector<16x128xf32>
    %swap3A = arith.constant 0 : index
    %swap3A_50 = arith.constant 0 : index
    %swap3A_51 = vector.load %arg12[%swap3A, %swap3A_50] : memref<16x128xf32, #tpu.memory_space<vmem>>, vector<16x128xf32>
    tpu.vector_store %arg12[%swap3A, %swap3A_50], %add3A_49 {strides = array<i32>} : memref<16x128xf32, #tpu.memory_space<vmem>>, vector<16x128xf32>,
    %get3A_52 = arith.constant 0 : index
    %get3A_53 = arith.constant 0 : index
    %get3A_54 = vector.load %arg13[%get3A_52, %get3A_53] : memref<16x128xf32, #tpu.memory_space<vmem>>, vector<16x128xf32>
    %reduce_sum3A = arith.constant dense<0.000000e+00> : vector<16xf32>
    %reduce_sum3A_55 = vector.multi_reduction <add>, %convert_element_type3A_43, %reduce_sum3A [1] : vector<16x1000xf32> to vector<16xf32>
    %broadcast_in_dim3A_56 = vector.shape_cast %reduce_sum3A_55 : vector<16xf32> to vector<16x1xf32>
    %broadcast_in_dim3A_57 = vector.shape_cast %broadcast_in_dim3A_56 : vector<16x1xf32> to vector<16x1xf32>
    %broadcast_in_dim3A_58 = vector.broadcast %broadcast_in_dim3A_57 : vector<16x1xf32> to vector<16x128xf32>
    %add3A_59 = arith.addf %get3A_54, %broadcast_in_dim3A_58 : vector<16x128xf32>
    %swap3A_60 = arith.constant 0 : index
    %swap3A_61 = arith.constant 0 : index
    %swap3A_62 = vector.load %arg13[%swap3A_60, %swap3A_61] : memref<16x128xf32, #tpu.memory_space<vmem>>, vector<16x128xf32>
    tpu.vector_store %arg13[%swap3A_60, %swap3A_61], %add3A_59 {strides = array<i32>} : memref<16x128xf32, #tpu.memory_space<vmem>>, vector<16x128xf32>,
    %eq3A_63 = arith.constant 9 : i32
    %eq3A_64 = arith.cmpi eq, %arg0, %eq3A_63 : i32
    %convert_element_type3A_65 = arith.extui %eq3A_64 : i1 to i32
    %cond3A_66 = arith.constant 0 : i32
    %cond3A_67 = arith.cmpi ne, %convert_element_type3A_65, %cond3A_66 : i32
    scf.if %cond3A_67 {
      %get3A_68 = arith.constant 0 : index
      %get3A_69 = arith.constant 0 : index
      %get3A_70 = vector.load %arg12[%get3A_68, %get3A_69] : memref<16x128xf32, #tpu.memory_space<vmem>>, vector<16x128xf32>
      %get3A_71 = arith.constant 0 : index
      %get3A_72 = arith.constant 0 : index
      %get3A_73 = vector.load %arg13[%get3A_71, %get3A_72] : memref<16x128xf32, #tpu.memory_space<vmem>>, vector<16x128xf32>
      %max3A_74 = arith.constant 1.000000e+00 : f32
      %max3A_75 = vector.broadcast %max3A_74 : f32 to vector<16x128xf32>
      %max3A_76 = arith.maximumf %get3A_73, %max3A_75 : vector<16x128xf32>
      %div3A = arith.divf %get3A_70, %max3A_76 : vector<16x128xf32>
      %get3A_77 = arith.constant 0 : index
      %get3A_78 = arith.constant 0 : index
      %get3A_79 = vector.load %arg7[%get3A_77, %get3A_78] : memref<128x128xf32, #tpu.memory_space<vmem>>, vector<128x128xf32>
      %convert_element_type3A_80 = arith.truncf %div3A : vector<16x128xf32> to vector<16x128xbf16>
      %convert_element_type3A_81 = arith.truncf %get3A_79 : vector<128x128xf32> to vector<128x128xbf16>
      %dot_general3A_82 = arith.constant dense<0.000000e+00> : vector<16x128xf32>
      %dot_general3A_83 = tpu.matmul %convert_element_type3A_80, %convert_element_type3A_81, %dot_general3A_82 {dimension_numbers = #tpu.dot_dimension_numbers<[1], [1], [0], [0], [0, 0, 1, 0], [], []>, transpose_lhs_hint = false} : vector<16x128xbf16>, vector<128x128xbf16>, vector<16x128xf32> -> vector<16x128xf32>
      %get3A_84 = arith.constant 0 : index
      %get3A_85 = arith.constant 0 : index
      %get3A_86 = vector.load %arg8[%get3A_84, %get3A_85] : memref<1x128xf32, #tpu.memory_space<vmem>>, vector<1x128xf32>
      %add3A_87 = vector.broadcast %get3A_86 : vector<1x128xf32> to vector<16x128xf32>
      %add3A_88 = arith.addf %dot_general3A_83, %add3A_87 : vector<16x128xf32>
      %max3A_89 = arith.constant 0.000000e+00 : f32
      %max3A_90 = vector.broadcast %max3A_89 : f32 to vector<16x128xf32>
      %max3A_91 = arith.maximumf %add3A_88, %max3A_90 : vector<16x128xf32>
      %convert_element_type3A_92 = arith.truncf %max3A_91 : vector<16x128xf32> to vector<16x128xbf16>
      %convert_element_type3A_93 = arith.extf %convert_element_type3A_92 : vector<16x128xbf16> to vector<16x128xf32>
      %get3A_94 = arith.constant 0 : index
      %get3A_95 = arith.constant 0 : index
      %get3A_96 = vector.load %arg9[%get3A_94, %get3A_95] : memref<1x128xf32, #tpu.memory_space<vmem>>, vector<1x128xf32>
      %convert_element_type3A_97 = arith.truncf %get3A_96 : vector<1x128xf32> to vector<1x128xbf16>
      %convert_element_type3A_98 = arith.extf %convert_element_type3A_97 : vector<1x128xbf16> to vector<1x128xf32>
      %mul3A = vector.broadcast %convert_element_type3A_98 : vector<1x128xf32> to vector<16x128xf32>
      %mul3A_99 = arith.mulf %convert_element_type3A_93, %mul3A : vector<16x128xf32>
      %reduce_sum3A_100 = arith.constant dense<0.000000e+00> : vector<16xf32>
      %reduce_sum3A_101 = vector.multi_reduction <add>, %mul3A_99, %reduce_sum3A_100 [1] : vector<16x128xf32> to vector<16xf32>
      %broadcast_in_dim3A_102 = vector.shape_cast %reduce_sum3A_101 : vector<16xf32> to vector<16x1xf32>
      %broadcast_in_dim3A_103 = vector.shape_cast %broadcast_in_dim3A_102 : vector<16x1xf32> to vector<16x1xf32>
      %broadcast_in_dim3A_104 = vector.broadcast %broadcast_in_dim3A_103 : vector<16x1xf32> to vector<16x128xf32>
      %get3A_105 = arith.constant 0 : index
      %get3A_106 = arith.constant 0 : index
      %get3A_107 = vector.load %arg10[%get3A_105, %get3A_106] : memref<1x128xf32, #tpu.memory_space<vmem>>, vector<1x128xf32>
      %add3A_108 = vector.broadcast %get3A_107 : vector<1x128xf32> to vector<16x128xf32>
      %add3A_109 = arith.addf %broadcast_in_dim3A_104, %add3A_108 : vector<16x128xf32>
      %swap3A_110 = arith.constant 0 : index
      %swap3A_111 = arith.constant 0 : index
      %swap3A_112 = vector.load %arg11[%swap3A_110, %swap3A_111] : memref<16x128xf32, #tpu.memory_space<vmem>>, vector<16x128xf32>
      tpu.vector_store %arg11[%swap3A_110, %swap3A_111], %add3A_109 {strides = array<i32>} : memref<16x128xf32, #tpu.memory_space<vmem>>, vector<16x128xf32>,
    } else {
    }
    return
  }
  func.func @transform_0(%arg0: i32) -> (i32, i32, i32) {
    %c0_i32 = arith.constant 0 : i32
    %c0_i32_0 = arith.constant 0 : i32
    %c0_i32_1 = arith.constant 0 : i32
    return %c0_i32, %arg0, %c0_i32_0 : i32, i32, i32
  }
  func.func @transform_1(%arg0: i32) -> (i32, i32) {
    %c0_i32 = arith.constant 0 : i32
    %c0_i32_0 = arith.constant 0 : i32
    return %arg0, %c0_i32 : i32, i32
  }
  func.func @transform_2(%arg0: i32) -> (i32, i32, i32) {
    %c0_i32 = arith.constant 0 : i32
    %c0_i32_0 = arith.constant 0 : i32
    %c0_i32_1 = arith.constant 0 : i32
    return %arg0, %c0_i32, %c0_i32_0 : i32, i32, i32
  }
  func.func @transform_3(%arg0: i32) -> (i32, i32) {
    %c0_i32 = arith.constant 0 : i32
    %c0_i32_0 = arith.constant 0 : i32
    %c0_i32_1 = arith.constant 0 : i32
    return %c0_i32, %c0_i32_0 : i32, i32
  }
  func.func @transform_4(%arg0: i32) -> (i32, i32) {
    %c0_i32 = arith.constant 0 : i32
    %c0_i32_0 = arith.constant 0 : i32
    %c0_i32_1 = arith.constant 0 : i32
    return %c0_i32, %c0_i32_0 : i32, i32
  }
  func.func @transform_5(%arg0: i32) -> (i32, i32) {
    %c0_i32 = arith.constant 0 : i32
    %c0_i32_0 = arith.constant 0 : i32
    %c0_i32_1 = arith.constant 0 : i32
    return %c0_i32, %c0_i32_0 : i32, i32
  }
  func.func @transform_6(%arg0: i32) -> (i32, i32) {
    %c0_i32 = arith.constant 0 : i32
    %c0_i32_0 = arith.constant 0 : i32
    %c0_i32_1 = arith.constant 0 : i32
    return %c0_i32, %c0_i32_0 : i32, i32
  }
  func.func @transform_7(%arg0: i32) -> (i32, i32) {
    %c0_i32 = arith.constant 0 : i32
    %c0_i32_0 = arith.constant 0 : i32
    %c0_i32_1 = arith.constant 0 : i32
    return %c0_i32, %c0_i32_0 : i32, i32
  }
  func.func @transform_8(%arg0: i32) -> (i32, i32) {
    %c0_i32 = arith.constant 0 : i32
    %c0_i32_0 = arith.constant 0 : i32
    %c0_i32_1 = arith.constant 0 : i32
    return %c0_i32, %c0_i32_0 : i32, i32
  }
  func.func @transform_9(%arg0: i32) -> (i32, i32) {
    %c0_i32 = arith.constant 0 : i32
    %c0_i32_0 = arith.constant 0 : i32
    %c0_i32_1 = arith.constant 0 : i32
    return %c0_i32, %c0_i32_0 : i32, i32
  }
  func.func @transform_10(%arg0: i32) -> (i32, i32) {
    %c0_i32 = arith.constant 0 : i32
    %c0_i32_0 = arith.constant 0 : i32
    %c0_i32_1 = arith.constant 0 : i32
    return %c0_i32, %c0_i32_0 : i32, i32
  }
}

</mosaic_0001>

<sc_bundles>
// kernel: kernel.6.cloned.1.call-start
scs
__scs_entry_jumppad:
0x0: {  	(pc) =	sbr.rel $0x88, $3  }
0x1: {  	(tag) =	ssettag $0x0;
	lr =	simm.s32 $0x1  }
0x2: {  	[smem:$0x3F94] =	sst lr;
	_ =	strace $0xD0000000  }
0x3: {  	_ = 	snop  }
0x4: {  	_ = 	snop  }
0x5: {  	_ = 	snop  }
0x6: {  	_ = 	snop  }
0x7: {  	_ = 	snop  }
__scs_overlays_trampoline_lowered:
0x8: {  	[smem:$0x3FA3] =	sst s0  }
0x9: {  	[smem:$0x3FA4] =	sst s1  }
0xa: {  	[smem:$0x3FA5] =	sst s2  }
0xb: {  	[smem:$0x3FA6] =	sst s3  }
0xc: {  	[smem:$0x3FA7] =	sst s4  }
0xd: {  	[smem:$0x3FA8] =	sst s5  }
0xe: {  	[smem:$0x3FA9] =	sst s6  }
0xf: {  	[smem:$0x3FAA] =	sst s7  }
0x10: {  	[smem:$0x3FAB] =	sst s8  }
0x11: {  	[smem:$0x3FAC] =	sst s9;
	s0 =	simm.s32 @!p0 $0x0  }
0x12: {  	s1 =	sld [smem:$0x3F92];
	s0 =	simm.s32 @p0 $0x1  }
0x13: {  	[smem:$0x3FAD] =	sst s0;
	s0 =	simm.s32 @!p1 $0x0  }
0x14: {  	s2 =	sld [smem:$0x3F91];
	s0 =	simm.s32 @p1 $0x1  }
0x15: {  	[smem:$0x3FAE] =	sst s0;
	s0 =	simm.s32 @!p2 $0x0  }
0x16: {  	s3 =	sld [smem:$0x3FDB];
	s0 =	simm.s32 @p2 $0x1  }
0x17: {  	s4 =	simm.s32 $0x1BF5;
	[smem:$0x3FB0] =	sst s0  }
0x18: {  	s0 =	sld [smem:$0x3F93];
	_ =	swait.ge [sflag:s4], $0x0  }
0x19: {  	s7 =	sld [smem:$0x3F94]  }
0x1a: {  	s8 =	sadd.s32 $0xFFFFE003, lr  }
0x1b: {  	s9 =	sadd.s32 $0xFFFFFEF7, lr;
	s5 =	simm.s32 $0xFFFFFFFF;
	p2 =	slt.u32 s8, $0xFFFFF086  }
0x1c: {  	p1 =	slt.u32 s9, $0xF7A;
	s5 =	simm.s32 @!p2 $0x0  }
0x1d: {  	s5 =	simm.s32 @p1 $0x1;
	p0 =	seq.s32 s7, s2  }
0x1e: {  	s7 =	smul.u32 @!p0 $0xF7A, s2;
	p2 =	seq.s32 @!p0 s5, $0x0  }
0x1f: {  	s9 =	smul.u32 $0xF7A, s1;
	s8 =	simm.s32 @!p0 $0x1BF5;
	p2 =	por !p2, p0  }
0x20: {  	[sflag:s8] =	ssyncset.s32 @!p0 $0xFFFFF086;
	s6 =	sadd.s32 @!p0 s3, s7;
	s7 =	simm.s32 @!p0 $0x108  }
0x21: {  	s3 =	sadd.s32 s3, s9;
	s6 =	sadd.s32 @!p0 $0x88, s6;
	s7 =	simm.s32 @p2 $0x1082  }
0x22: {  	[simem:s7], [sflag:s8] =	dma.local @!p0 [hbm:s6], $0xF7A  }
0x23: {  	s9 =	sor.u32 $0xD0000000, s2;
	s6 =	simm.s32 $0x108;
	_ =	swait.ge @!p0 [sflag:s8], $0x0  }
0x24: {  	s3 =	sadd.s32 $0x88, s3;
	s6 =	simm.s32 @!p1 $0x1082;
	[sflag:s4] =	ssyncset.s32 $0xFFFFF086  }
0x25: {  	[simem:s6], [sflag:s4] =	dma.local [hbm:s3], $0xF7A  }
0x26: {  	[smem:$0x3F94] =	sst s1;
	(tag) =	ssettag s2;
	_ =	strace s9  }
0x27: {  	s1 =	sld [smem:$0x3FA4]  }
0x28: {  	s2 =	sld [smem:$0x3FA5]  }
0x29: {  	s4 =	sld [smem:$0x3FA7]  }
0x2a: {  	p0 =	seq.s32 s5, $0x0;
	s5 =	sld [smem:$0x3FA8]  }
0x2b: {  	s6 =	sld [smem:$0x3FA9]  }
0x2c: {  	s7 =	sld [smem:$0x3FAA]  }
0x2d: {  	s3 =	simm.s32 $0x108;
	s8 =	sld [smem:$0x3FAB]  }
0x2e: {  	s3 =	simm.s32 @!p0 $0x1082;
	s9 =	sld [smem:$0x3FAC]  }
0x2f: {  	lr =	sadd.s32 s0, s3;
	s0 =	sld [smem:$0x3FA3]  }
0x30: {  	s3 =	sld [smem:$0x3FA6]  }
0x31: {  	[smem:$0x3FAF] =	sst s10  }
0x32: {  	s10 =	sld [smem:$0x3FAD];
	_ =	sdelay $0x3  }
0x33: {  	p0 =	seq.s32 s10, $0x1;
	s10 =	sld [smem:$0x3FAF];
	_ =	sdelay $0x3  }
0x34: {  	[smem:$0x3FAF] =	sst s10  }
0x35: {  	s10 =	sld [smem:$0x3FAE];
	_ =	sdelay $0x3  }
0x36: {  	p1 =	seq.s32 s10, $0x1;
	s10 =	sld [smem:$0x3FAF];
	_ =	sdelay $0x3  }
0x37: {  	[smem:$0x3FAF] =	sst s10  }
0x38: {  	s10 =	sld [smem:$0x3FB0]  }
0x39: {  	_ = 	snop;
	(pc) =	sbr.ind lr, $3  }
0x3a: {  	_ = 	snop  }
0x3b: {  	_ = 	snop  }
0x3c: {  	p2 =	seq.s32 s10, $0x1;
	s10 =	sld [smem:$0x3FAF]  }
0x3d: {  	_ =	shalt  }
0x3e: {  	_ =	shalt  }
0x3f: {  	_ =	shalt  }
0x40: {  	_ =	shalt  }
0x41: {  	_ =	shalt  }
0x42: {  	_ =	shalt  }
0x43: {  	_ =	shalt  }
0x44: {  	_ =	shalt  }
0x45: {  	_ =	shalt  }
0x46: {  	_ =	shalt  }
0x47: {  	_ =	shalt  }
0x48: {  	_ =	shalt  }
0x49: {  	_ =	shalt  }
0x4a: {  	_ =	shalt  }
0x4b: {  	_ =	shalt  }
0x4c: {  	_ =	shalt  }
0x4d: {  	_ =	shalt  }
0x4e: {  	_ =	shalt  }
0x4f: {  	_ =	shalt  }
0x50: {  	_ =	shalt  }
0x51: {  	_ =	shalt  }
0x52: {  	_ =	shalt  }
0x53: {  	_ =	shalt  }
0x54: {  	_ =	shalt  }
0x55: {  	_ =	shalt  }
0x56: {  	_ =	shalt  }
0x57: {  	_ =	shalt  }
0x58: {  	_ =	shalt  }
0x59: {  	_ =	shalt  }
0x5a: {  	_ =	shalt  }
0x5b: {  	_ =	shalt  }
0x5c: {  	_ =	shalt  }
0x5d: {  	_ =	shalt  }
0x5e: {  	_ =	shalt  }
0x5f: {  	_ =	shalt  }
0x60: {  	_ =	shalt  }
0x61: {  	_ =	shalt  }
0x62: {  	_ =	shalt  }
0x63: {  	_ =	shalt  }
0x64: {  	_ =	shalt  }
0x65: {  	_ =	shalt  }
0x66: {  	_ =	shalt  }
0x67: {  	_ =	shalt  }
0x68: {  	_ =	shalt  }
0x69: {  	_ =	shalt  }
0x6a: {  	_ =	shalt  }
0x6b: {  	_ =	shalt  }
0x6c: {  	_ =	shalt  }
0x6d: {  	_ =	shalt  }
0x6e: {  	_ =	shalt  }
0x6f: {  	_ =	shalt  }
0x70: {  	_ =	shalt  }
0x71: {  	_ =	shalt  }
0x72: {  	_ =	shalt  }
0x73: {  	_ =	shalt  }
0x74: {  	_ =	shalt  }
0x75: {  	_ =	shalt  }
0x76: {  	_ =	shalt  }
0x77: {  	_ =	shalt  }
0x78: {  	_ =	shalt  }
0x79: {  	_ =	shalt  }
0x7a: {  	_ =	shalt  }
0x7b: {  	_ =	shalt  }
0x7c: {  	_ =	shalt  }
0x7d: {  	_ =	shalt  }
0x7e: {  	_ =	shalt  }
0x7f: {  	_ =	shalt  }
0x80: {  	_ =	shalt  }
0x81: {  	_ =	shalt  }
0x82: {  	_ =	shalt  }
0x83: {  	_ =	shalt  }
0x84: {  	_ =	shalt  }
0x85: {  	_ =	shalt  }
0x86: {  	_ =	shalt  }
0x87: {  	_ =	shalt  }
.Lfunc_end0:
.L_simem_size_0:
called_computation_lowered:
.L_overlay_start_0:
0x88: {  	s2 =	sld [smem:$0x3FD9]  }
0x89: {  	s3 =	sld [smem:$0x3FFE];
	_ =	sdelay $0x1  }
0x8a: {  	s1 =	srdreg.scid  }
0x8b: {  	s0 =	sand.u32 $0x1, s1  }
0x8c: {  	s17 =	sshll.u32 s0, $0xA;
	s2 =	sadd.s32 s3, s2  }
0x8d: {  	s2 =	sadd.s32 s2, s17  }
0x8e: {  	[smem:$0x3FBB] =	sst s2  }
0x8f: {  	_ = 	snop  }
0x90: {  	s2 =	sld [smem:$0x3FC9];
	(tm) =	ssettm $0x1  }
0x91: {  	s18 =	sld [smem:$0x3FFB];
	_ =	sdelay $0x3  }
0x92: {  	_ =	strace s18  }
0x93: {  	s3 =	sld [smem:$0x3FFC];
	_ =	sdelay $0x3  }
0x94: {  	_ =	strace s3  }
0x95: {  	s3 =	sld [smem:$0x3FFD];
	_ =	sdelay $0x3  }
0x96: {  	_ =	strace s3  }
0x97: {  	_ =	strace $0x8FFFFFFF  }
0x98: {  	s19 =	sld [smem:$0x3FDB];
	_ =	sdelay $0x1  }
0x99: {  	s4 =	simm.s32 $_scs_section_size  }
0x9a: {  	s5 =	simm.s32 $_size__tile_overlayer_lowered;
	s6 =	simm.s32 $_tile_overlayer_lowered  }
0x9b: {  	s22 =	simm.s32 $0x1BFF;
	s21 =	sshll.u32 s6, $0x1;
	s3 =	sadd.s32 s4, s19  }
0x9c: {  	s7 =	simm.s32 $0x0;
	s20 =	sshll.u32 s5, $0x1;
	s5 =	sadd.s32 s21, s3  }
0x9d: {  	[timem:s7], [sflag:s22] =	dma.local [hbm:s5], s20  }
0x9e: {  	_ =	swait.ge [sflag:s22], s20  }
0x9f: {  	s4 =	ssub.s32 $0x0, s20;
	[sflag:s22] =	ssyncset.done $0x0  }
0xa0: {  	[sflag:s22] =	ssyncadd.s32 s4;
	_ =	sdelay $0x1  }
0xa1: {  	s23 =	simm.s32 $0x1B8B  }
0xa2: {  	_ =	swait.ge [sflag:s23], $0x1  }
0xa3: {  	[sflag:s23] =	ssyncset.done $0x0  }
0xa4: {  	s25 =	simm.s32 $0x1B8E;
	s24 =	sld [smem:$0x3FFE];
	[sflag:s23] =	ssyncadd.s32 $0xFFFFFFFF  }
0xa5: {  	s26 =	simm.s32 $execute0_lowered;
	[smem:$0x3FD2] =	sst s25  }
0xa6: {  	s5 =	sshll.u32 s26, $0x1;
	_ =	strace $0x80000046;
	[dreg:$0x1] =	wrdreg $0xFFFFFFFF  }
0xa7: {  	s28 =	simm.s32 $_size_execute0_lowered;
	s3 =	sadd.s32 s3, s5;
	[dreg:$0x0] =	wrdreg $0x0  }
0xa8: {  	s5 =	sshll.u32 s28, $0x1;
	[dreg:$0x2] =	wrdreg s3  }
0xa9: {  	[dreg:$0x3] =	wrdreg s5  }
0xaa: {  	[dreg:$0x4] =	wrdreg $0xC0  }
0xab: {  	_ =	task [dreg:s7], $0x5FFFF  }
0xac: {  	[dreg:$0x1] =	wrdreg $0xFFFFFFFF  }
0xad: {  	[dreg:$0x0] =	wrdreg $0x60  }
0xae: {  	[dreg:$0x2] =	wrdreg s2  }
0xaf: {  	[dreg:$0x3] =	wrdreg s24  }
0xb0: {  	[dreg:$0x4] =	wrdreg $0xC3000  }
0xb1: {  	[dreg:$0x5] =	wrdreg $0x9  }
0xb2: {  	_ =	task.clear_ibuf [dreg:s7], $0x6FFFF;
	_ =	strace $0x90000046  }
0xb3: {  	s29 =	simm.s32 $0x9;
	_ =	strace $0x80000048  }
0xb4: {  	_ =	swait.ge [sflag:s29], $0x1  }
0xb5: {  	[sflag:s29] =	ssyncadd.s32 $0xFFFFFFFF  }
0xb6: {  	_ =	strace $0x90000048  }
0xb7: {  	_ =	sfence  }
0xb8: {  	s30 =	sld [smem:$0x0];
	_ =	sdelay $0x2  }
0xb9: {  	s31 =	sshll.u32 s1, $0xD;
	s1 =	sshrl.u32 s1, $0x2  }
0xba: {  	s3 =	sand.u32 $0x4000, s31;
	s1 =	sadd.s32 s1, s30  }
0xbb: {  	s0 =	sor.u32 s3, s0;
	s1 =	sshll.u32 s1, $0x11  }
0xbc: {  	s0 =	sor.u32 s1, s0  }
0xbd: {  	s0 =	sadd.s32 $0x8F2B, s0  }
0xbe: {  	[sflag:s0] =	ssyncadd.remote.s32 $0x1  }
0xbf: {  	_ =	sfence.sel $0xFFFF  }
0xc0: {  	[dreg:$0x0] =	wrdreg $0xFFFFFFFF;
	(pc) =	sbr.abs _section_cstart, $3  }
0xc1: {  	[dreg:$0x1] =	wrdreg $0xFFFFFFFF  }
0xc2: {  	_ =	task.clear_ibuf [dreg:s7], $0x2FFFF;
	_ =	strace $0x9FFFFFFF  }
0xc3: {  	(tm) =	ssettm $0x7FFFFFFF  }
tec
execute0_lowered:
.L_overlay_start_1:
0x0: {  	(tag) =	ssettag $0x1  }
0x1: {  	s1 =	rddreg [dreg:$0x0]  }
0x2: {  	s0 =	rddreg [dreg:$0x1];
	s14 =	stileid.u32  }
0x3: {  	s2 =	srdreg.scid;
	s3 =	rddreg [dreg:$0x2]  }
0x4: {  	s4 =	simm.s32 $0x0;
	s15 =	simm.s32 $0x100;
	s17 =	simm.s32 $0x1  }
0x5: {  	s18 =	simm.s32 $0x40;
	s21 =	simm.s32 $0x2;
	s5 =	smul.u32 $0x13800, s14  }
0x6: {  	s31 =	simm.s32 $0x80;
	s2 =	sand.u32 $0x1, s2;
	s26 =	smul.u32 $0x4E000, s14  }
0x7: {  	[smem:$0x7FF] =	sst s4;
	s10 =	sadd.s32 $0x2400, s0;
	s11 =	smul.u32 $0x50, s14  }
0x8: {  	s30 =	sshll.u32 s14, $0x6;
	s6 =	smul.u32 $0x138800, s2;
	_ =	strace $0x80000047  }
0x9: {  	s25 =	ssub.s32 $0x2, s2;
	s9 =	sshll.u32 s2, $0x4;
	s2 =	smul.u32 $0x500, s2  }
0xa: {  	[dreg:$0x4] =	wrdreg s31;
	s7 =	sshrl.u32 s5, $0x3;
	s8 =	sshrl.u32 s25, $0x1  }
0xb: {  	s9 =	sor.u32 s14, s9;
	s14 =	simm.s32 $0xA;
	s5 =	sadd.s32 s5, s6  }
0xc: {  	s24 =	sadd.s32 s7, s0;
	s7 =	sshrl.u32 s26, $0x2;
	s12 =	ssub.s32 s25, s8  }
0xd: {  	s28 =	smul.u32 $0xA00, s9;
	s2 =	sadd.s32 s11, s2;
	s6 =	sor.u32 $0x1C0A, s30  }
0xe: {  	s25 =	simm.s32 $0x0;
	s5 =	sshrl.u32 s5, $0x3;
	s13 =	sadd.s32 s7, s3  }
0xf: {  	s29 =	sadd.s32 $0x16400, s24;
	s2 =	sshll.u32 s2, $0x5;
	s11 =	smax.u32 s12, $0x1  }
0x10: {  	s0 =	sadd.s32 s5, s0;
	[dreg:$0x5] =	wrdreg s29;
	s7 =	sadd.s32 s10, s28  }
0x11: {  	s2 =	sadd.s32 s2, s10;
	s13 =	sshrl.u32 s13, $0x3;
	s8 =	sadd.s32 $0x20, s7  }
0x12: {  	s9 =	sadd.s32 $0x40, s7;
	s10 =	sadd.s32 $0x3D600, s0;
	s2 =	sadd.s32 $0x60, s2  }
.LBB2_1:
0x13: {  	s0 =	rddreg [dreg:$0x5]  }
0x14: {  	[spmem:s13], [sflag:s6] =	dma.local [hbm:s0], $0x2880  }
0x15: {  	_ =	swait.ge [sflag:s14], $0x2880  }
0x16: {  	[sflag:s14] =	ssyncset.done $0x0  }
0x17: {  	[sflag:s14] =	ssyncadd.s32 $0xFFFFD780  }
0x18: {  	[bflag:$0x0] =	sbarrier.arrive $0xFFFF  }
0x19: {  	[tilespmem:s4], [sflag:$0x1] =	stream.linear.gather [hbm4b:s7+s4], $0x100, $0x38;
	[tilespmem:$0x1FBC0] =	vst v63  }
0x1a: {  	_ = 	snop  }
0x1b: {  	[tilespmem:s15], [sflag:$0x2] =	stream.linear.gather [hbm4b:s8+s4], $0x100, $0x38;
	[tilespmem:$0x1FBC0] =	vst v63  }
0x1c: {  	s20 =	simm.s32 $0x200;
	s24 =	smul.u32 $0xAB, s4  }
0x1d: {  	[tilespmem:s20], [sflag:$0x3] =	stream.linear.gather [hbm4b:s9+s4], $0x100, $0x38;
	[tilespmem:$0x1FBC0] =	vst v63  }
0x1e: {  	_ =	swait.ge [sflag:s17], $0x100  }
0x1f: {  	s0 =	sshrl.u32 s24, $0x9;
	[sflag:s17] =	ssyncset.done $0x0  }
0x20: {  	s22 =	simm.s32 $0x300;
	s0 =	sand.u32 $0x7F, s0;
	[sflag:s17] =	ssyncadd.s32 $0xFFFFFF00  }
0x21: {  	[tilespmem:s22], [sflag:$0x4] =	stream.indirect.gather [hbm4b:s1+s18], $0x80, s4, s18, $0xb8;
	[tilespmem:$0x1FBC0] =	vst v63  }
0x22: {  	s23 =	simm.s32 $0x2300;
	s0 =	smul.u32 $0x3, s0  }
0x23: {  	[tilespmem:s23], [sflag:$0x5] =	stream.indirect.gather [hbm4b:s1+s18], $0x80, s18, s18, $0xb8;
	[tilespmem:$0x1FBC0] =	vst v63  }
0x24: {  	s5 =	simm.s32 $0x4300;
	_ =	swait.ge [sflag:s21], $0x100  }
0x25: {  	s26 =	simm.s32 $0x140;
	s0 =	ssub.s32 $0x0, s0;
	[sflag:s21] =	ssyncset.done $0x0  }
0x26: {  	s12 =	simm.s32 $0x6300;
	s0 =	sand.u32 $0xFF, s0;
	[sflag:s21] =	ssyncadd.s32 $0xFFFFFF00  }
0x27: {  	[tilespmem:s5], [sflag:$0x6] =	stream.indirect.gather [hbm4b:s1+s18], $0x80, s15, s18, $0xb8;
	[tilespmem:$0x1FBC0] =	vst v63  }
0x28: {  	p0 =	por $0x0, $0x0;
	s29 =	simm.s32 $0x2;
	s5 =	sshll.u32 s0, $0x1  }
0x29: {  	s28 =	sadd.s32 $0x20, s2;
	p1 =	por @!p0 $0x0, $0x0;
	s16 =	sadd.s32 $0x4, s5  }
0x2a: {  	[tilespmem:s12], [sflag:$0x7] =	stream.indirect.gather [hbm4b:s1+s18], $0x80, s26, s18, $0xb8;
	[tilespmem:$0x1FBC0] =	vst v63  }
0x2b: {  	p1 =	por p1, p0;
	s19 =	sshll.u32 s0, $0xE;
	_ =	swait.ge [sflag:s16], $0x2000  }
0x2c: {  	s31 =	sadd.s32 @!p1 $0x1, s0;
	s20 =	simm.s32 @!p0 $0x2;
	[sflag:s16] =	ssyncset.done $0x0  }
0x2d: {  	s19 =	sor.u32 $0x300, s19;
	[sflag:s16] =	ssyncadd.s32 $0xFFFFE000;
	s16 =	sand.u32 @!p0 $0xFF, s20  }
0x2e: {  	s0 =	sshll.u32 s0, $0x8;
	s12 =	sadd.s32 $0x5, s5;
	s16 =	smul.u32 @!p0 $0xAB, s16  }
0x2f: {  	s23 =	sor.u32 $0x80, s0;
	s26 =	simm.s32 $0x1;
	_ =	swait.ge [sflag:s12], $0x2000  }
0x30: {  	s24 =	smul.u32 $0xAB, s26;
	[sflag:s12] =	ssyncset.done $0x0;
	s16 =	sshrl.u32 @!p0 s16, $0x9  }
0x31: {  	s22 =	rddreg [dreg:$0x4];
	[sflag:s12] =	ssyncadd.s32 $0xFFFFE000;
	s16 =	smul.u32 @!p0 $0x3, s16  }
0x32: {  	[spmem:s3] =	stream.indirect.scatter.add.f32 [tilespmem:s19], [sflag:$0xA], $0x80, s23, s22, $0xb8;
	[tilespmem:$0x1FBC0] =	vst v63  }
0x33: {  	s30 =	simm.s32 @!p0 $0x40;
	_ =	swait.ge [sflag:s14], $0x4000;
	s16 =	ssub.s32 @!p0 $0x2, s16  }
0x34: {  	s12 =	sshrl.u32 s24, $0x9;
	[sflag:s14] =	ssyncset.done $0x0;
	s16 =	sand.u32 @!p0 $0xFF, s16  }
0x35: {  	s12 =	sand.u32 $0x7F, s12;
	[sflag:s14] =	ssyncadd.s32 $0xFFFFC000;
	s23 =	sadd.s32 @!p0 $0x1, s16  }
0x36: {  	s22 =	smul.u32 $0x3, s12;
	s12 =	smov.u32 s2;
	_ =	swait.ge @!p0 [sflag:s23], $0x100  }
0x37: {  	s20 =	sshll.u32 @!p0 s16, $0xE;
	s19 =	sshll.u32 @!p0 s16, $0x1;
	[sflag:s23] =	ssyncset.done @!p0 $0x0  }
0x38: {  	s24 =	sadd.s32 @!p0 $0x4, s19;
	[sflag:s23] =	ssyncadd.s32 @!p0 $0xFFFFFF00;
	s23 =	sor.u32 @!p0 $0x300, s20  }
.LBB2_2:
0x39: {  	s16 =	sshll.u32 @!p0 s16, $0x8;
	s20 =	sor.u32 @!p0 $0x2300, s20  }
0x3a: {  	s5 =	smov.u32 s29;
	s19 =	sadd.s32 @!p0 $0x5, s19;
	s22 =	ssub.s32 s26, s22  }
0x3b: {  	[tilespmem:s23], [sflag:s24] =	stream.indirect.gather @!p0 [hbm4b:s1+s30], $0x80, s16, s30, $0xb8;
	[tilespmem:$0x1FBC0] =	vst v63  }
0x3c: {  	s29 =	sadd.s32 $0x1, s29;
	s16 =	sor.u32 @!p0 $0x40, s16;
	s22 =	sand.u32 $0xFF, s22  }
0x3d: {  	[tilespmem:s20], [sflag:s19] =	stream.indirect.gather @!p0 [hbm4b:s1+s30], $0x80, s16, s30, $0xb8;
	[tilespmem:$0x1FBC0] =	vst v63  }
0x3e: {  	p2 =	sne.s32 s29, $0x50;
	s19 =	sshll.u32 s22, $0x1  }
0x3f: {  	s24 =	sshll.u32 s22, $0xE;
	s20 =	simm.s32 @!p1 $0x0;
	p0 =	sgt.u32 s26, $0x4D  }
0x40: {  	s23 =	sadd.s32 $0x4, s19;
	s30 =	simm.s32 @!p0 $0x40;
	s16 =	sadd.s32 $0x5, s19  }
0x41: {  	[tilespmem:s0], [sflag:s31] =	stream.linear.gather @!p1 [hbm4b:s12+s20], $0x100, $0x38;
	[tilespmem:$0x1FBC0] =	vst v63  }
0x42: {  	s19 =	sor.u32 $0x300, s24;
	s12 =	smov.u32 s28;
	s20 =	sadd.s32 @!p0 $0x2, s26  }
0x43: {  	p1 =	seq.s32 @!p0 s26, $0x4D;
	_ =	swait.ge [sflag:s23], $0x2000;
	s0 =	sand.u32 @!p0 $0xFF, s20  }
0x44: {  	s26 =	smov.u32 s5;
	[sflag:s23] =	ssyncset.done $0x0;
	s0 =	smul.u32 @!p0 $0xAB, s0  }
0x45: {  	s28 =	sadd.s32 $0x20, s28;
	p1 =	por p1, p0;
	[sflag:s23] =	ssyncadd.s32 $0xFFFFE000  }
0x46: {  	s31 =	sadd.s32 @!p1 $0x1, s22;
	_ =	swait.ge [sflag:s16], $0x2000;
	s23 =	sshrl.u32 @!p0 s0, $0x9  }
0x47: {  	s0 =	sshll.u32 s22, $0x8;
	[sflag:s16] =	ssyncset.done $0x0;
	s5 =	rddreg [dreg:$0x4]  }
0x48: {  	s24 =	sor.u32 $0x80, s0;
	s22 =	smul.u32 @!p0 $0x3, s23;
	[sflag:s16] =	ssyncadd.s32 $0xFFFFE000  }
0x49: {  	[spmem:s3] =	stream.indirect.scatter.add.f32 [tilespmem:s19], [sflag:$0xA], $0x80, s24, s5, $0xb8;
	[tilespmem:$0x1FBC0] =	vst v63  }
0x4a: {  	s24 =	smul.u32 $0xAB, s26;
	s16 =	ssub.s32 @!p0 s20, s22;
	_ =	swait.ge [sflag:s14], $0x4000  }
.Ltmp0:
0x4b: {  	s16 =	sand.u32 @!p0 $0xFF, s16;
	[sflag:s14] =	ssyncset.done $0x0;
	(pc) =	sbr.rel @p2 .LBB2_2-.Ltmp0, $4  }
0x4c: {  	s5 =	sshrl.u32 s24, $0x9;
	s23 =	sadd.s32 @!p0 $0x1, s16;
	[sflag:s14] =	ssyncadd.s32 $0xFFFFC000  }
0x4d: {  	s20 =	sshll.u32 @!p0 s16, $0xE;
	s19 =	sshll.u32 @!p0 s16, $0x1;
	_ =	swait.ge @!p0 [sflag:s23], $0x100  }
0x4e: {  	s5 =	sand.u32 $0x7F, s5;
	s24 =	sadd.s32 @!p0 $0x4, s19;
	[sflag:s23] =	ssyncset.done @!p0 $0x0  }
0x4f: {  	s22 =	smul.u32 $0x3, s5;
	[sflag:s23] =	ssyncadd.s32 @!p0 $0xFFFFFF00;
	s23 =	sor.u32 @!p0 $0x300, s20  }
0x50: {  	_ = 	snop  }
0x51: {  	s16 =	sshll.u32 @!p0 s16, $0x8;
	s20 =	sor.u32 @!p0 $0x2300, s20;
	s5 =	ssub.s32 s26, s22  }
0x52: {  	[tilespmem:s23], [sflag:s24] =	stream.indirect.gather @!p0 [hbm4b:s1+s30], $0x80, s16, s30, $0xb8;
	[tilespmem:$0x1FBC0] =	vst v63  }
0x53: {  	s19 =	sadd.s32 @!p0 $0x5, s19;
	s16 =	sor.u32 @!p0 $0x40, s16;
	s5 =	sand.u32 $0xFF, s5  }
0x54: {  	[tilespmem:s20], [sflag:s19] =	stream.indirect.gather @!p0 [hbm4b:s1+s30], $0x80, s16, s30, $0xb8;
	[tilespmem:$0x1FBC0] =	vst v63  }
0x55: {  	s22 =	sshll.u32 s5, $0x1  }
0x56: {  	s19 =	simm.s32 @!p1 $0x0;
	p0 =	sgt.u32 s26, $0x4D;
	s23 =	sadd.s32 $0x4, s22  }
0x57: {  	[tilespmem:s0], [sflag:s31] =	stream.linear.gather @!p1 [hbm4b:s12+s19], $0x100, $0x38;
	[tilespmem:$0x1FBC0] =	vst v63  }
0x58: {  	s12 =	sadd.s32 @!p0 $0x2, s26;
	_ =	swait.ge [sflag:s23], $0x2000  }
0x59: {  	s29 =	sshll.u32 s5, $0xE;
	s16 =	sand.u32 @!p0 $0xFF, s12;
	[sflag:s23] =	ssyncset.done $0x0  }
0x5a: {  	s24 =	sadd.s32 $0x5, s22;
	s16 =	smul.u32 @!p0 $0xAB, s16;
	[sflag:s23] =	ssyncadd.s32 $0xFFFFE000  }
0x5b: {  	s22 =	sshll.u32 s5, $0x8;
	s19 =	sor.u32 $0x300, s29;
	_ =	swait.ge [sflag:s24], $0x2000  }
0x5c: {  	s31 =	sor.u32 $0x80, s22;
	s16 =	sshrl.u32 @!p0 s16, $0x9;
	[sflag:s24] =	ssyncset.done $0x0  }
0x5d: {  	s30 =	rddreg [dreg:$0x4];
	s16 =	smul.u32 @!p0 $0x3, s16;
	[sflag:s24] =	ssyncadd.s32 $0xFFFFE000  }
0x5e: {  	[spmem:s3] =	stream.indirect.scatter.add.f32 [tilespmem:s19], [sflag:$0xA], $0x80, s31, s30, $0xb8;
	[tilespmem:$0x1FBC0] =	vst v63  }
0x5f: {  	s25 =	sadd.s32 $0x1, s25;
	s0 =	ssub.s32 @!p0 s12, s16;
	_ =	swait.ge [sflag:s14], $0x4000  }
0x60: {  	p1 =	seq.s32 @!p0 s26, $0x4D;
	s0 =	sand.u32 @!p0 $0xFF, s0;
	[sflag:s14] =	ssyncset.done $0x0  }
0x61: {  	p1 =	por p1, p0;
	s12 =	sadd.s32 @!p0 $0x1, s0;
	[sflag:s14] =	ssyncadd.s32 $0xFFFFC000  }
0x62: {  	s16 =	simm.s32 @!p0 $0x40;
	s19 =	sshll.u32 @!p0 s0, $0xE;
	_ =	swait.ge @!p0 [sflag:s12], $0x100  }
0x63: {  	s20 =	sshll.u32 @!p0 s0, $0x1;
	s0 =	sshll.u32 @!p0 s0, $0x8;
	[sflag:s12] =	ssyncset.done @!p0 $0x0  }
0x64: {  	s23 =	sadd.s32 @!p0 $0x4, s20;
	[sflag:s12] =	ssyncadd.s32 @!p0 $0xFFFFFF00;
	s12 =	sor.u32 @!p0 $0x300, s19  }
0x65: {  	[tilespmem:s12], [sflag:s23] =	stream.indirect.gather @!p0 [hbm4b:s1+s16], $0x80, s0, s16, $0xb8;
	[tilespmem:$0x1FBC0] =	vst v63  }
0x66: {  	s12 =	sor.u32 @!p0 $0x2300, s19;
	s0 =	sor.u32 @!p0 $0x40, s0;
	s19 =	sadd.s32 @!p0 $0x5, s20  }
0x67: {  	[tilespmem:s12], [sflag:s19] =	stream.indirect.gather @!p0 [hbm4b:s1+s16], $0x80, s0, s16, $0xb8;
	[tilespmem:$0x1FBC0] =	vst v63  }
0x68: {  	s0 =	sadd.s32 @!p1 $0x1, s5;
	s5 =	simm.s32 @!p1 $0x0;
	p0 =	sne.s32 s25, s11  }
0x69: {  	[tilespmem:s22], [sflag:s0] =	stream.linear.gather @!p1 [hbm4b:s28+s5], $0x100, $0x38;
	[tilespmem:$0x1FBC0] =	vst v63  }
.Ltmp1:
0x6a: {  	[bflag:$0x0] =	sbarrier.arrive $0xFFFF;
	(pc) =	sbr.rel @p0 .LBB2_1-.Ltmp1, $4  }
0x6b: {  	[hbm:s10], [sflag:s6] =	dma.local [spmem:s13], $0x2800  }
0x6c: {  	_ =	swait.ge [sflag:s14], $0x2800  }
0x6d: {  	[sflag:s14] =	ssyncset.done $0x0  }
0x6e: {  	[sflag:s14] =	ssyncadd.s32 $0xFFFFD800  }
0x6f: {  	_ =	sfence.sel $0x180000  }
0x70: {  	[bflag:$0x0] =	sbarrier.arrive $0xFFFF  }
0x71: {  	_ =	strace $0x90000047  }
0x72: {  	s0 =	stileid.u32;
	[bflag:$0x2] =	sbarrier.arrive $0xFFFF  }
0x73: {  	p0 =	sne.s32 s0, $0x0;
	s0 =	rddreg [dreg:$0x3]  }
0x74: {  	s0 =	sadd.s32 @!p0 $0x100000, s0  }
0x75: {  	[sflag:s0] =	ssyncadd.tile.s32 @!p0 $0x1;
	_ =	shalt  }
.Lfunc_end2:
_tile_overlayer_lowered:
.L_overlay_start_2:
0x76: {  	(tag) =	ssettag $0x2  }
0x77: {  	s0 =	rddreg [dreg:$0x0];
	s2 =	stileid.u32  }
0x78: {  	s1 =	rddreg [dreg:$0x1];
	p0 =	sne.s32 s2, $0x0  }
0x79: {  	s3 =	rddreg [dreg:$0x2];
	[bflag:$0x3] =	sbarrier.arrive $0xFFFF;
	s2 =	simm.s32 @!p0 $0x1C0A  }
0x7a: {  	[timem:s3], [sflag:s2] =	dma.local @!p0 [hbm:s0], s1  }
0x7b: {  	s0 =	simm.s32 @!p0 $0xA  }
0x7c: {  	_ =	swait.ge @!p0 [sflag:s0], s1  }
0x7d: {  	s1 =	ssub.s32 @!p0 $0x0, s1;
	[sflag:s0] =	ssyncset.done @!p0 $0x0  }
0x7e: {  	[sflag:s0] =	ssyncadd.s32 @!p0 s1  }
0x7f: {  	[bflag:$0x3] =	sbarrier.arrive $0xFFFF  }
0x80: {  	_ =	shalt  }

// kernel: kernel.9.cloned.1.call-start
scs
__scs_entry_jumppad:
0x0: {  	(pc) =	sbr.rel $0x88, $3  }
0x1: {  	(tag) =	ssettag $0x0;
	lr =	simm.s32 $0x1  }
0x2: {  	[smem:$0x3F94] =	sst lr;
	_ =	strace $0xD0000000  }
0x3: {  	_ = 	snop  }
0x4: {  	_ = 	snop  }
0x5: {  	_ = 	snop  }
0x6: {  	_ = 	snop  }
0x7: {  	_ = 	snop  }
__scs_overlays_trampoline_lowered:
0x8: {  	[smem:$0x3FA3] =	sst s0  }
0x9: {  	[smem:$0x3FA4] =	sst s1  }
0xa: {  	[smem:$0x3FA5] =	sst s2  }
0xb: {  	[smem:$0x3FA6] =	sst s3  }
0xc: {  	[smem:$0x3FA7] =	sst s4  }
0xd: {  	[smem:$0x3FA8] =	sst s5  }
0xe: {  	[smem:$0x3FA9] =	sst s6  }
0xf: {  	[smem:$0x3FAA] =	sst s7  }
0x10: {  	[smem:$0x3FAB] =	sst s8  }
0x11: {  	[smem:$0x3FAC] =	sst s9;
	s0 =	simm.s32 @!p0 $0x0  }
0x12: {  	s1 =	sld [smem:$0x3F92];
	s0 =	simm.s32 @p0 $0x1  }
0x13: {  	[smem:$0x3FAD] =	sst s0;
	s0 =	simm.s32 @!p1 $0x0  }
0x14: {  	s2 =	sld [smem:$0x3F91];
	s0 =	simm.s32 @p1 $0x1  }
0x15: {  	[smem:$0x3FAE] =	sst s0;
	s0 =	simm.s32 @!p2 $0x0  }
0x16: {  	s3 =	sld [smem:$0x3FDB];
	s0 =	simm.s32 @p2 $0x1  }
0x17: {  	s4 =	simm.s32 $0x1BF5;
	[smem:$0x3FB0] =	sst s0  }
0x18: {  	s0 =	sld [smem:$0x3F93];
	_ =	swait.ge [sflag:s4], $0x0  }
0x19: {  	s7 =	sld [smem:$0x3F94]  }
0x1a: {  	s8 =	sadd.s32 $0xFFFFE003, lr  }
0x1b: {  	s9 =	sadd.s32 $0xFFFFFEF7, lr;
	s5 =	simm.s32 $0xFFFFFFFF;
	p2 =	slt.u32 s8, $0xFFFFF086  }
0x1c: {  	p1 =	slt.u32 s9, $0xF7A;
	s5 =	simm.s32 @!p2 $0x0  }
0x1d: {  	s5 =	simm.s32 @p1 $0x1;
	p0 =	seq.s32 s7, s2  }
0x1e: {  	s7 =	smul.u32 @!p0 $0xF7A, s2;
	p2 =	seq.s32 @!p0 s5, $0x0  }
0x1f: {  	s9 =	smul.u32 $0xF7A, s1;
	s8 =	simm.s32 @!p0 $0x1BF5;
	p2 =	por !p2, p0  }
0x20: {  	[sflag:s8] =	ssyncset.s32 @!p0 $0xFFFFF086;
	s6 =	sadd.s32 @!p0 s3, s7;
	s7 =	simm.s32 @!p0 $0x108  }
0x21: {  	s3 =	sadd.s32 s3, s9;
	s6 =	sadd.s32 @!p0 $0x88, s6;
	s7 =	simm.s32 @p2 $0x1082  }
0x22: {  	[simem:s7], [sflag:s8] =	dma.local @!p0 [hbm:s6], $0xF7A  }
0x23: {  	s9 =	sor.u32 $0xD0000000, s2;
	s6 =	simm.s32 $0x108;
	_ =	swait.ge @!p0 [sflag:s8], $0x0  }
0x24: {  	s3 =	sadd.s32 $0x88, s3;
	s6 =	simm.s32 @!p1 $0x1082;
	[sflag:s4] =	ssyncset.s32 $0xFFFFF086  }
0x25: {  	[simem:s6], [sflag:s4] =	dma.local [hbm:s3], $0xF7A  }
0x26: {  	[smem:$0x3F94] =	sst s1;
	(tag) =	ssettag s2;
	_ =	strace s9  }
0x27: {  	s1 =	sld [smem:$0x3FA4]  }
0x28: {  	s2 =	sld [smem:$0x3FA5]  }
0x29: {  	s4 =	sld [smem:$0x3FA7]  }
0x2a: {  	p0 =	seq.s32 s5, $0x0;
	s5 =	sld [smem:$0x3FA8]  }
0x2b: {  	s6 =	sld [smem:$0x3FA9]  }
0x2c: {  	s7 =	sld [smem:$0x3FAA]  }
0x2d: {  	s3 =	simm.s32 $0x108;
	s8 =	sld [smem:$0x3FAB]  }
0x2e: {  	s3 =	simm.s32 @!p0 $0x1082;
	s9 =	sld [smem:$0x3FAC]  }
0x2f: {  	lr =	sadd.s32 s0, s3;
	s0 =	sld [smem:$0x3FA3]  }
0x30: {  	s3 =	sld [smem:$0x3FA6]  }
0x31: {  	[smem:$0x3FAF] =	sst s10  }
0x32: {  	s10 =	sld [smem:$0x3FAD];
	_ =	sdelay $0x3  }
0x33: {  	p0 =	seq.s32 s10, $0x1;
	s10 =	sld [smem:$0x3FAF];
	_ =	sdelay $0x3  }
0x34: {  	[smem:$0x3FAF] =	sst s10  }
0x35: {  	s10 =	sld [smem:$0x3FAE];
	_ =	sdelay $0x3  }
0x36: {  	p1 =	seq.s32 s10, $0x1;
	s10 =	sld [smem:$0x3FAF];
	_ =	sdelay $0x3  }
0x37: {  	[smem:$0x3FAF] =	sst s10  }
0x38: {  	s10 =	sld [smem:$0x3FB0]  }
0x39: {  	_ = 	snop;
	(pc) =	sbr.ind lr, $3  }
0x3a: {  	_ = 	snop  }
0x3b: {  	_ = 	snop  }
0x3c: {  	p2 =	seq.s32 s10, $0x1;
	s10 =	sld [smem:$0x3FAF]  }
0x3d: {  	_ =	shalt  }
0x3e: {  	_ =	shalt  }
0x3f: {  	_ =	shalt  }
0x40: {  	_ =	shalt  }
0x41: {  	_ =	shalt  }
0x42: {  	_ =	shalt  }
0x43: {  	_ =	shalt  }
0x44: {  	_ =	shalt  }
0x45: {  	_ =	shalt  }
0x46: {  	_ =	shalt  }
0x47: {  	_ =	shalt  }
0x48: {  	_ =	shalt  }
0x49: {  	_ =	shalt  }
0x4a: {  	_ =	shalt  }
0x4b: {  	_ =	shalt  }
0x4c: {  	_ =	shalt  }
0x4d: {  	_ =	shalt  }
0x4e: {  	_ =	shalt  }
0x4f: {  	_ =	shalt  }
0x50: {  	_ =	shalt  }
0x51: {  	_ =	shalt  }
0x52: {  	_ =	shalt  }
0x53: {  	_ =	shalt  }
0x54: {  	_ =	shalt  }
0x55: {  	_ =	shalt  }
0x56: {  	_ =	shalt  }
0x57: {  	_ =	shalt  }
0x58: {  	_ =	shalt  }
0x59: {  	_ =	shalt  }
0x5a: {  	_ =	shalt  }
0x5b: {  	_ =	shalt  }
0x5c: {  	_ =	shalt  }
0x5d: {  	_ =	shalt  }
0x5e: {  	_ =	shalt  }
0x5f: {  	_ =	shalt  }
0x60: {  	_ =	shalt  }
0x61: {  	_ =	shalt  }
0x62: {  	_ =	shalt  }
0x63: {  	_ =	shalt  }
0x64: {  	_ =	shalt  }
0x65: {  	_ =	shalt  }
0x66: {  	_ =	shalt  }
0x67: {  	_ =	shalt  }
0x68: {  	_ =	shalt  }
0x69: {  	_ =	shalt  }
0x6a: {  	_ =	shalt  }
0x6b: {  	_ =	shalt  }
0x6c: {  	_ =	shalt  }
0x6d: {  	_ =	shalt  }
0x6e: {  	_ =	shalt  }
0x6f: {  	_ =	shalt  }
0x70: {  	_ =	shalt  }
0x71: {  	_ =	shalt  }
0x72: {  	_ =	shalt  }
0x73: {  	_ =	shalt  }
0x74: {  	_ =	shalt  }
0x75: {  	_ =	shalt  }
0x76: {  	_ =	shalt  }
0x77: {  	_ =	shalt  }
0x78: {  	_ =	shalt  }
0x79: {  	_ =	shalt  }
0x7a: {  	_ =	shalt  }
0x7b: {  	_ =	shalt  }
0x7c: {  	_ =	shalt  }
0x7d: {  	_ =	shalt  }
0x7e: {  	_ =	shalt  }
0x7f: {  	_ =	shalt  }
0x80: {  	_ =	shalt  }
0x81: {  	_ =	shalt  }
0x82: {  	_ =	shalt  }
0x83: {  	_ =	shalt  }
0x84: {  	_ =	shalt  }
0x85: {  	_ =	shalt  }
0x86: {  	_ =	shalt  }
0x87: {  	_ =	shalt  }
.Lfunc_end0:
.L_simem_size_0:
called_computation.1_lowered:
.L_overlay_start_0:
0x88: {  	s2 =	sld [smem:$0x3FD9]  }
0x89: {  	s3 =	sld [smem:$0x3FFE];
	_ =	sdelay $0x1  }
0x8a: {  	s1 =	srdreg.scid  }
0x8b: {  	s0 =	sand.u32 $0x1, s1  }
0x8c: {  	s16 =	sshll.u32 s0, $0xA;
	s2 =	sadd.s32 s3, s2  }
0x8d: {  	s2 =	sadd.s32 s2, s16  }
0x8e: {  	[smem:$0x3FBB] =	sst s2  }
0x8f: {  	_ = 	snop  }
0x90: {  	(tm) =	ssettm $0x1  }
0x91: {  	s17 =	sld [smem:$0x3FFB];
	_ =	sdelay $0x3  }
0x92: {  	_ =	strace s17  }
0x93: {  	s2 =	sld [smem:$0x3FFC];
	_ =	sdelay $0x3  }
0x94: {  	_ =	strace s2  }
0x95: {  	s2 =	sld [smem:$0x3FFD];
	_ =	sdelay $0x3  }
0x96: {  	_ =	strace s2  }
0x97: {  	_ =	strace $0x8FFFFFFF  }
0x98: {  	s18 =	sld [smem:$0x3FDB];
	_ =	sdelay $0x1  }
0x99: {  	s19 =	simm.s32 $_scs_section_size  }
0x9a: {  	s4 =	simm.s32 $_size__tile_overlayer_lowered;
	s5 =	simm.s32 $_tile_overlayer_lowered  }
0x9b: {  	s22 =	simm.s32 $0x1BFF;
	s21 =	sshll.u32 s5, $0x1;
	s2 =	sadd.s32 s19, s18  }
0x9c: {  	s6 =	simm.s32 $0x0;
	s20 =	sshll.u32 s4, $0x1;
	s4 =	sadd.s32 s21, s2  }
0x9d: {  	[timem:s6], [sflag:s22] =	dma.local [hbm:s4], s20  }
0x9e: {  	_ =	swait.ge [sflag:s22], s20  }
0x9f: {  	s3 =	ssub.s32 $0x0, s20;
	[sflag:s22] =	ssyncset.done $0x0  }
0xa0: {  	[sflag:s22] =	ssyncadd.s32 s3;
	_ =	sdelay $0x1  }
0xa1: {  	s23 =	simm.s32 $0x1B8B  }
0xa2: {  	_ =	swait.ge [sflag:s23], $0x1  }
0xa3: {  	[sflag:s23] =	ssyncset.done $0x0  }
0xa4: {  	s25 =	simm.s32 $0x1B8E;
	s24 =	sld [smem:$0x3FFE];
	[sflag:s23] =	ssyncadd.s32 $0xFFFFFFFF  }
0xa5: {  	s26 =	simm.s32 $execute0_lowered;
	[smem:$0x3FD2] =	sst s25  }
0xa6: {  	s4 =	sshll.u32 s26, $0x1;
	_ =	strace $0x80000049;
	[dreg:$0x1] =	wrdreg $0xFFFFFFFF  }
0xa7: {  	s28 =	simm.s32 $_size_execute0_lowered;
	s2 =	sadd.s32 s2, s4;
	[dreg:$0x0] =	wrdreg $0x0  }
0xa8: {  	s4 =	sshll.u32 s28, $0x1;
	[dreg:$0x2] =	wrdreg s2  }
0xa9: {  	[dreg:$0x3] =	wrdreg s4  }
0xaa: {  	[dreg:$0x4] =	wrdreg $0xC0  }
0xab: {  	_ =	task [dreg:s6], $0x5FFFF  }
0xac: {  	[dreg:$0x1] =	wrdreg $0xFFFFFFFF  }
0xad: {  	[dreg:$0x0] =	wrdreg $0x60  }
0xae: {  	[dreg:$0x2] =	wrdreg s24  }
0xaf: {  	[dreg:$0x3] =	wrdreg $0xC3000  }
0xb0: {  	[dreg:$0x4] =	wrdreg $0x9  }
0xb1: {  	_ =	task.clear_ibuf [dreg:s6], $0x5FFFF;
	_ =	strace $0x90000049  }
0xb2: {  	s29 =	simm.s32 $0x9;
	_ =	strace $0x8000004B  }
0xb3: {  	_ =	swait.ge [sflag:s29], $0x1  }
0xb4: {  	[sflag:s29] =	ssyncadd.s32 $0xFFFFFFFF  }
0xb5: {  	_ =	strace $0x9000004B  }
0xb6: {  	_ =	sfence  }
0xb7: {  	s30 =	sld [smem:$0x0];
	_ =	sdelay $0x2  }
0xb8: {  	s31 =	sshll.u32 s1, $0xD;
	s1 =	sshrl.u32 s1, $0x2  }
0xb9: {  	s3 =	sand.u32 $0x4000, s31;
	s1 =	sadd.s32 s1, s30  }
0xba: {  	s0 =	sor.u32 s3, s0;
	s1 =	sshll.u32 s1, $0x11  }
0xbb: {  	s0 =	sor.u32 s1, s0  }
0xbc: {  	s0 =	sadd.s32 $0x8F2B, s0  }
0xbd: {  	[sflag:s0] =	ssyncadd.remote.s32 $0x1  }
0xbe: {  	_ =	sfence.sel $0xFFFF  }
0xbf: {  	[dreg:$0x0] =	wrdreg $0xFFFFFFFF;
	(pc) =	sbr.abs _section_cstart, $3  }
0xc0: {  	[dreg:$0x1] =	wrdreg $0xFFFFFFFF  }
0xc1: {  	_ =	task.clear_ibuf [dreg:s6], $0x2FFFF;
	_ =	strace $0x9FFFFFFF  }
0xc2: {  	(tm) =	ssettm $0x7FFFFFFF  }
0xc3: {  	_ =	shalt  }
tec
execute0_lowered:
.L_overlay_start_1:
0x0: {  	(tag) =	ssettag $0x1  }
0x1: {  	s0 =	rddreg [dreg:$0x0]  }
0x2: {  	s2 =	rddreg [dreg:$0x1]  }
0x3: {  	s14 =	stileid.u32;
	s1 =	srdreg.scid;
	s3 =	simm.s32 $0x0  }
0x4: {  	s15 =	simm.s32 $0x100;
	s17 =	simm.s32 $0x1;
	s18 =	simm.s32 $0x40  }
0x5: {  	s21 =	simm.s32 $0x2;
	s31 =	simm.s32 $0x80;
	s5 =	smul.u32 $0x13800, s14  }
0x6: {  	s1 =	sand.u32 $0x1, s1;
	[smem:$0x7FF] =	sst s3;
	s26 =	smul.u32 $0x4E000, s14  }
0x7: {  	s4 =	sadd.s32 $0x3D600, s0;
	s10 =	sadd.s32 $0x2400, s0;
	s11 =	smul.u32 $0x50, s14  }
0x8: {  	s30 =	sshll.u32 s14, $0x6;
	s6 =	smul.u32 $0x138800, s1;
	_ =	strace $0x8000004A  }
0x9: {  	s25 =	ssub.s32 $0x2, s1;
	s9 =	sshll.u32 s1, $0x4;
	s1 =	smul.u32 $0x500, s1  }
0xa: {  	[dreg:$0x3] =	wrdreg s31;
	s7 =	sshrl.u32 s5, $0x3;
	s8 =	sshrl.u32 s25, $0x1  }
0xb: {  	s9 =	sor.u32 s14, s9;
	s14 =	simm.s32 $0xA;
	s5 =	sadd.s32 s5, s6  }
0xc: {  	s24 =	sadd.s32 s7, s0;
	s7 =	sshrl.u32 s26, $0x2;
	s12 =	ssub.s32 s25, s8  }
0xd: {  	s28 =	smul.u32 $0xA00, s9;
	s1 =	sadd.s32 s11, s1;
	s6 =	sor.u32 $0x1C0A, s30  }
0xe: {  	s25 =	simm.s32 $0x0;
	s5 =	sshrl.u32 s5, $0x3;
	s13 =	sadd.s32 s7, s2  }
0xf: {  	s29 =	sadd.s32 $0x16400, s24;
	s1 =	sshll.u32 s1, $0x5;
	s11 =	smax.u32 s12, $0x1  }
0x10: {  	s0 =	sadd.s32 s5, s0;
	[dreg:$0x4] =	wrdreg s29;
	s7 =	sadd.s32 s10, s28  }
0x11: {  	s1 =	sadd.s32 s1, s10;
	s13 =	sshrl.u32 s13, $0x3;
	s8 =	sadd.s32 $0x20, s7  }
0x12: {  	s9 =	sadd.s32 $0x40, s7;
	s10 =	sadd.s32 $0x64800, s0;
	s0 =	sadd.s32 $0x60, s1  }
.LBB2_1:
0x13: {  	s1 =	rddreg [dreg:$0x4]  }
0x14: {  	[spmem:s13], [sflag:s6] =	dma.local [hbm:s1], $0x2880  }
0x15: {  	_ =	swait.ge [sflag:s14], $0x2880  }
0x16: {  	[sflag:s14] =	ssyncset.done $0x0  }
0x17: {  	[sflag:s14] =	ssyncadd.s32 $0xFFFFD780  }
0x18: {  	[bflag:$0x0] =	sbarrier.arrive $0xFFFF  }
0x19: {  	[tilespmem:s3], [sflag:$0x1] =	stream.linear.gather [hbm4b:s7+s3], $0x100, $0x38;
	[tilespmem:$0x1FBC0] =	vst v63  }
0x1a: {  	_ = 	snop  }
0x1b: {  	[tilespmem:s15], [sflag:$0x2] =	stream.linear.gather [hbm4b:s8+s3], $0x100, $0x38;
	[tilespmem:$0x1FBC0] =	vst v63  }
0x1c: {  	s20 =	simm.s32 $0x200;
	s24 =	smul.u32 $0xAB, s3  }
0x1d: {  	[tilespmem:s20], [sflag:$0x3] =	stream.linear.gather [hbm4b:s9+s3], $0x100, $0x38;
	[tilespmem:$0x1FBC0] =	vst v63  }
0x1e: {  	_ =	swait.ge [sflag:s17], $0x100  }
0x1f: {  	s1 =	sshrl.u32 s24, $0x9;
	[sflag:s17] =	ssyncset.done $0x0  }
0x20: {  	s22 =	simm.s32 $0x300;
	s1 =	sand.u32 $0x7F, s1;
	[sflag:s17] =	ssyncadd.s32 $0xFFFFFF00  }
0x21: {  	[tilespmem:s22], [sflag:$0x4] =	stream.indirect.gather [hbm4b:s4+s18], $0x80, s3, s18, $0xb8;
	[tilespmem:$0x1FBC0] =	vst v63  }
0x22: {  	s23 =	simm.s32 $0x2300;
	s1 =	smul.u32 $0x3, s1  }
0x23: {  	[tilespmem:s23], [sflag:$0x5] =	stream.indirect.gather [hbm4b:s4+s18], $0x80, s18, s18, $0xb8;
	[tilespmem:$0x1FBC0] =	vst v63  }
0x24: {  	s5 =	simm.s32 $0x4300;
	_ =	swait.ge [sflag:s21], $0x100  }
0x25: {  	s26 =	simm.s32 $0x140;
	s1 =	ssub.s32 $0x0, s1;
	[sflag:s21] =	ssyncset.done $0x0  }
0x26: {  	s12 =	simm.s32 $0x6300;
	s1 =	sand.u32 $0xFF, s1;
	[sflag:s21] =	ssyncadd.s32 $0xFFFFFF00  }
0x27: {  	[tilespmem:s5], [sflag:$0x6] =	stream.indirect.gather [hbm4b:s4+s18], $0x80, s15, s18, $0xb8;
	[tilespmem:$0x1FBC0] =	vst v63  }
0x28: {  	p0 =	por $0x0, $0x0;
	s29 =	simm.s32 $0x2;
	s5 =	sshll.u32 s1, $0x1  }
0x29: {  	s28 =	sadd.s32 $0x20, s0;
	p1 =	por @!p0 $0x0, $0x0;
	s16 =	sadd.s32 $0x4, s5  }
0x2a: {  	[tilespmem:s12], [sflag:$0x7] =	stream.indirect.gather [hbm4b:s4+s18], $0x80, s26, s18, $0xb8;
	[tilespmem:$0x1FBC0] =	vst v63  }
0x2b: {  	p1 =	por p1, p0;
	s19 =	sshll.u32 s1, $0xE;
	_ =	swait.ge [sflag:s16], $0x2000  }
0x2c: {  	s31 =	sadd.s32 @!p1 $0x1, s1;
	s20 =	simm.s32 @!p0 $0x2;
	[sflag:s16] =	ssyncset.done $0x0  }
0x2d: {  	s19 =	sor.u32 $0x300, s19;
	[sflag:s16] =	ssyncadd.s32 $0xFFFFE000;
	s16 =	sand.u32 @!p0 $0xFF, s20  }
0x2e: {  	s1 =	sshll.u32 s1, $0x8;
	s12 =	sadd.s32 $0x5, s5;
	s16 =	smul.u32 @!p0 $0xAB, s16  }
0x2f: {  	s23 =	sor.u32 $0x80, s1;
	s26 =	simm.s32 $0x1;
	_ =	swait.ge [sflag:s12], $0x2000  }
0x30: {  	s24 =	smul.u32 $0xAB, s26;
	[sflag:s12] =	ssyncset.done $0x0;
	s16 =	sshrl.u32 @!p0 s16, $0x9  }
0x31: {  	s22 =	rddreg [dreg:$0x3];
	[sflag:s12] =	ssyncadd.s32 $0xFFFFE000;
	s16 =	smul.u32 @!p0 $0x3, s16  }
0x32: {  	[spmem:s2] =	stream.indirect.scatter.add.f32 [tilespmem:s19], [sflag:$0xA], $0x80, s23, s22, $0xb8;
	[tilespmem:$0x1FBC0] =	vst v63  }
0x33: {  	s30 =	simm.s32 @!p0 $0x40;
	_ =	swait.ge [sflag:s14], $0x4000;
	s16 =	ssub.s32 @!p0 $0x2, s16  }
0x34: {  	s12 =	sshrl.u32 s24, $0x9;
	[sflag:s14] =	ssyncset.done $0x0;
	s16 =	sand.u32 @!p0 $0xFF, s16  }
0x35: {  	s12 =	sand.u32 $0x7F, s12;
	[sflag:s14] =	ssyncadd.s32 $0xFFFFC000;
	s23 =	sadd.s32 @!p0 $0x1, s16  }
0x36: {  	s22 =	smul.u32 $0x3, s12;
	s12 =	smov.u32 s0;
	_ =	swait.ge @!p0 [sflag:s23], $0x100  }
0x37: {  	s20 =	sshll.u32 @!p0 s16, $0xE;
	s19 =	sshll.u32 @!p0 s16, $0x1;
	[sflag:s23] =	ssyncset.done @!p0 $0x0  }
0x38: {  	s24 =	sadd.s32 @!p0 $0x4, s19;
	[sflag:s23] =	ssyncadd.s32 @!p0 $0xFFFFFF00;
	s23 =	sor.u32 @!p0 $0x300, s20  }
.LBB2_2:
0x39: {  	s16 =	sshll.u32 @!p0 s16, $0x8;
	s20 =	sor.u32 @!p0 $0x2300, s20  }
0x3a: {  	s5 =	smov.u32 s29;
	s19 =	sadd.s32 @!p0 $0x5, s19;
	s22 =	ssub.s32 s26, s22  }
0x3b: {  	[tilespmem:s23], [sflag:s24] =	stream.indirect.gather @!p0 [hbm4b:s4+s30], $0x80, s16, s30, $0xb8;
	[tilespmem:$0x1FBC0] =	vst v63  }
0x3c: {  	s29 =	sadd.s32 $0x1, s29;
	s16 =	sor.u32 @!p0 $0x40, s16;
	s22 =	sand.u32 $0xFF, s22  }
0x3d: {  	[tilespmem:s20], [sflag:s19] =	stream.indirect.gather @!p0 [hbm4b:s4+s30], $0x80, s16, s30, $0xb8;
	[tilespmem:$0x1FBC0] =	vst v63  }
0x3e: {  	p2 =	sne.s32 s29, $0x50;
	s19 =	sshll.u32 s22, $0x1  }
0x3f: {  	s24 =	sshll.u32 s22, $0xE;
	s20 =	simm.s32 @!p1 $0x0;
	p0 =	sgt.u32 s26, $0x4D  }
0x40: {  	s23 =	sadd.s32 $0x4, s19;
	s30 =	simm.s32 @!p0 $0x40;
	s16 =	sadd.s32 $0x5, s19  }
0x41: {  	[tilespmem:s1], [sflag:s31] =	stream.linear.gather @!p1 [hbm4b:s12+s20], $0x100, $0x38;
	[tilespmem:$0x1FBC0] =	vst v63  }
0x42: {  	s19 =	sor.u32 $0x300, s24;
	s12 =	smov.u32 s28;
	s20 =	sadd.s32 @!p0 $0x2, s26  }
0x43: {  	p1 =	seq.s32 @!p0 s26, $0x4D;
	_ =	swait.ge [sflag:s23], $0x2000;
	s1 =	sand.u32 @!p0 $0xFF, s20  }
0x44: {  	s26 =	smov.u32 s5;
	[sflag:s23] =	ssyncset.done $0x0;
	s1 =	smul.u32 @!p0 $0xAB, s1  }
0x45: {  	s28 =	sadd.s32 $0x20, s28;
	p1 =	por p1, p0;
	[sflag:s23] =	ssyncadd.s32 $0xFFFFE000  }
0x46: {  	s31 =	sadd.s32 @!p1 $0x1, s22;
	_ =	swait.ge [sflag:s16], $0x2000;
	s23 =	sshrl.u32 @!p0 s1, $0x9  }
0x47: {  	s1 =	sshll.u32 s22, $0x8;
	[sflag:s16] =	ssyncset.done $0x0;
	s5 =	rddreg [dreg:$0x3]  }
0x48: {  	s24 =	sor.u32 $0x80, s1;
	s22 =	smul.u32 @!p0 $0x3, s23;
	[sflag:s16] =	ssyncadd.s32 $0xFFFFE000  }
0x49: {  	[spmem:s2] =	stream.indirect.scatter.add.f32 [tilespmem:s19], [sflag:$0xA], $0x80, s24, s5, $0xb8;
	[tilespmem:$0x1FBC0] =	vst v63  }
0x4a: {  	s24 =	smul.u32 $0xAB, s26;
	s16 =	ssub.s32 @!p0 s20, s22;
	_ =	swait.ge [sflag:s14], $0x4000  }
.Ltmp0:
0x4b: {  	s16 =	sand.u32 @!p0 $0xFF, s16;
	[sflag:s14] =	ssyncset.done $0x0;
	(pc) =	sbr.rel @p2 .LBB2_2-.Ltmp0, $4  }
0x4c: {  	s5 =	sshrl.u32 s24, $0x9;
	s23 =	sadd.s32 @!p0 $0x1, s16;
	[sflag:s14] =	ssyncadd.s32 $0xFFFFC000  }
0x4d: {  	s20 =	sshll.u32 @!p0 s16, $0xE;
	s19 =	sshll.u32 @!p0 s16, $0x1;
	_ =	swait.ge @!p0 [sflag:s23], $0x100  }
0x4e: {  	s5 =	sand.u32 $0x7F, s5;
	s24 =	sadd.s32 @!p0 $0x4, s19;
	[sflag:s23] =	ssyncset.done @!p0 $0x0  }
0x4f: {  	s22 =	smul.u32 $0x3, s5;
	[sflag:s23] =	ssyncadd.s32 @!p0 $0xFFFFFF00;
	s23 =	sor.u32 @!p0 $0x300, s20  }
0x50: {  	_ = 	snop  }
0x51: {  	s16 =	sshll.u32 @!p0 s16, $0x8;
	s20 =	sor.u32 @!p0 $0x2300, s20;
	s5 =	ssub.s32 s26, s22  }
0x52: {  	[tilespmem:s23], [sflag:s24] =	stream.indirect.gather @!p0 [hbm4b:s4+s30], $0x80, s16, s30, $0xb8;
	[tilespmem:$0x1FBC0] =	vst v63  }
0x53: {  	s19 =	sadd.s32 @!p0 $0x5, s19;
	s16 =	sor.u32 @!p0 $0x40, s16;
	s5 =	sand.u32 $0xFF, s5  }
0x54: {  	[tilespmem:s20], [sflag:s19] =	stream.indirect.gather @!p0 [hbm4b:s4+s30], $0x80, s16, s30, $0xb8;
	[tilespmem:$0x1FBC0] =	vst v63  }
0x55: {  	s22 =	sshll.u32 s5, $0x1  }
0x56: {  	s19 =	simm.s32 @!p1 $0x0;
	p0 =	sgt.u32 s26, $0x4D;
	s23 =	sadd.s32 $0x4, s22  }
0x57: {  	[tilespmem:s1], [sflag:s31] =	stream.linear.gather @!p1 [hbm4b:s12+s19], $0x100, $0x38;
	[tilespmem:$0x1FBC0] =	vst v63  }
0x58: {  	s12 =	sadd.s32 @!p0 $0x2, s26;
	_ =	swait.ge [sflag:s23], $0x2000  }
0x59: {  	s29 =	sshll.u32 s5, $0xE;
	s16 =	sand.u32 @!p0 $0xFF, s12;
	[sflag:s23] =	ssyncset.done $0x0  }
0x5a: {  	s24 =	sadd.s32 $0x5, s22;
	s16 =	smul.u32 @!p0 $0xAB, s16;
	[sflag:s23] =	ssyncadd.s32 $0xFFFFE000  }
0x5b: {  	s22 =	sshll.u32 s5, $0x8;
	s19 =	sor.u32 $0x300, s29;
	_ =	swait.ge [sflag:s24], $0x2000  }
0x5c: {  	s31 =	sor.u32 $0x80, s22;
	s16 =	sshrl.u32 @!p0 s16, $0x9;
	[sflag:s24] =	ssyncset.done $0x0  }
0x5d: {  	s30 =	rddreg [dreg:$0x3];
	s16 =	smul.u32 @!p0 $0x3, s16;
	[sflag:s24] =	ssyncadd.s32 $0xFFFFE000  }
0x5e: {  	[spmem:s2] =	stream.indirect.scatter.add.f32 [tilespmem:s19], [sflag:$0xA], $0x80, s31, s30, $0xb8;
	[tilespmem:$0x1FBC0] =	vst v63  }
0x5f: {  	s25 =	sadd.s32 $0x1, s25;
	s1 =	ssub.s32 @!p0 s12, s16;
	_ =	swait.ge [sflag:s14], $0x4000  }
0x60: {  	p1 =	seq.s32 @!p0 s26, $0x4D;
	s1 =	sand.u32 @!p0 $0xFF, s1;
	[sflag:s14] =	ssyncset.done $0x0  }
0x61: {  	p1 =	por p1, p0;
	s12 =	sadd.s32 @!p0 $0x1, s1;
	[sflag:s14] =	ssyncadd.s32 $0xFFFFC000  }
0x62: {  	s16 =	simm.s32 @!p0 $0x40;
	s19 =	sshll.u32 @!p0 s1, $0xE;
	_ =	swait.ge @!p0 [sflag:s12], $0x100  }
0x63: {  	s20 =	sshll.u32 @!p0 s1, $0x1;
	s1 =	sshll.u32 @!p0 s1, $0x8;
	[sflag:s12] =	ssyncset.done @!p0 $0x0  }
0x64: {  	s23 =	sadd.s32 @!p0 $0x4, s20;
	[sflag:s12] =	ssyncadd.s32 @!p0 $0xFFFFFF00;
	s12 =	sor.u32 @!p0 $0x300, s19  }
0x65: {  	[tilespmem:s12], [sflag:s23] =	stream.indirect.gather @!p0 [hbm4b:s4+s16], $0x80, s1, s16, $0xb8;
	[tilespmem:$0x1FBC0] =	vst v63  }
0x66: {  	s12 =	sor.u32 @!p0 $0x2300, s19;
	s1 =	sor.u32 @!p0 $0x40, s1;
	s19 =	sadd.s32 @!p0 $0x5, s20  }
0x67: {  	[tilespmem:s12], [sflag:s19] =	stream.indirect.gather @!p0 [hbm4b:s4+s16], $0x80, s1, s16, $0xb8;
	[tilespmem:$0x1FBC0] =	vst v63  }
0x68: {  	s1 =	sadd.s32 @!p1 $0x1, s5;
	s5 =	simm.s32 @!p1 $0x0;
	p0 =	sne.s32 s25, s11  }
0x69: {  	[tilespmem:s22], [sflag:s1] =	stream.linear.gather @!p1 [hbm4b:s28+s5], $0x100, $0x38;
	[tilespmem:$0x1FBC0] =	vst v63  }
.Ltmp1:
0x6a: {  	[bflag:$0x0] =	sbarrier.arrive $0xFFFF;
	(pc) =	sbr.rel @p0 .LBB2_1-.Ltmp1, $4  }
0x6b: {  	[hbm:s10], [sflag:s6] =	dma.local [spmem:s13], $0x2800  }
0x6c: {  	_ =	swait.ge [sflag:s14], $0x2800  }
0x6d: {  	[sflag:s14] =	ssyncset.done $0x0  }
0x6e: {  	[sflag:s14] =	ssyncadd.s32 $0xFFFFD800  }
0x6f: {  	_ =	sfence.sel $0x180000  }
0x70: {  	[bflag:$0x0] =	sbarrier.arrive $0xFFFF  }
0x71: {  	_ =	strace $0x9000004A  }
0x72: {  	s0 =	stileid.u32;
	[bflag:$0x2] =	sbarrier.arrive $0xFFFF  }
0x73: {  	p0 =	sne.s32 s0, $0x0;
	s0 =	rddreg [dreg:$0x2]  }
0x74: {  	s0 =	sadd.s32 @!p0 $0x100000, s0  }
0x75: {  	[sflag:s0] =	ssyncadd.tile.s32 @!p0 $0x1;
	_ =	shalt  }
.Lfunc_end2:
_tile_overlayer_lowered:
.L_overlay_start_2:
0x76: {  	(tag) =	ssettag $0x2  }
0x77: {  	s0 =	rddreg [dreg:$0x0];
	s2 =	stileid.u32  }
0x78: {  	s1 =	rddreg [dreg:$0x1];
	p0 =	sne.s32 s2, $0x0  }
0x79: {  	s3 =	rddreg [dreg:$0x2];
	[bflag:$0x3] =	sbarrier.arrive $0xFFFF;
	s2 =	simm.s32 @!p0 $0x1C0A  }
0x7a: {  	[timem:s3], [sflag:s2] =	dma.local @!p0 [hbm:s0], s1  }
0x7b: {  	s0 =	simm.s32 @!p0 $0xA  }
0x7c: {  	_ =	swait.ge @!p0 [sflag:s0], s1  }
0x7d: {  	s1 =	ssub.s32 @!p0 $0x0, s1;
	[sflag:s0] =	ssyncset.done @!p0 $0x0  }
0x7e: {  	[sflag:s0] =	ssyncadd.s32 @!p0 s1  }
0x7f: {  	[bflag:$0x3] =	sbarrier.arrive $0xFFFF  }
0x80: {  	_ =	shalt  }

</sc_bundles>
